<compile_context>
chip_gen: v7x
topology: tpu7x:2x2x1
jax: 0.10.2.dev20260603
libtpu: 0.0.44.dev20260713+nightly
codegen_flags: <defaults>
</compile_context>

<pallas_src>
import jax
import jax.numpy as jnp
from jax import lax
from jax.experimental import pallas as pl
from jax.experimental.pallas import tpu as pltpu
from jax.experimental.pallas import tpu_sc as plsc

N = 10000
NP = 10240
E = 320000
EP = 327680
D = 128
NC = 2
NS = 16
NW = NC * NS
K = 128
EPW = EP // NW
CH = EPW
NPT = NP // NS

_mesh = plsc.VectorSubcoreMesh(core_axis_name="c", subcore_axis_name="s")
_sc_params = pltpu.CompilerParams(needs_layout_passes=False)
_sc_params_nt = pltpu.CompilerParams(
    needs_layout_passes=False, use_tc_tiling_on_sc=False
)


def _zero_1d(ref, n):
    zf = jnp.zeros((16,), jnp.float32)

    @pl.loop(0, n, step=16)
    def _(i):
        ref[pl.ds(i, 16)] = zf


def _sc_degree(dst):

    @pl.kernel(
        out_type=jax.ShapeDtypeStruct((NW * NP,), jnp.float32),
        mesh=_mesh,
        compiler_params=_sc_params,
        scratch_types=[
            pltpu.VMEM((EPW,), jnp.int32),
            pltpu.VMEM((NP,), jnp.float32),
        ],
    )
    def k(dst_hbm, deg_out, dstbuf, hist):
        c = lax.axis_index("c")
        s = lax.axis_index("s")
        w = c * NS + s
        pltpu.sync_copy(dst_hbm.at[pl.ds(w * EPW, EPW)], dstbuf)
        _zero_1d(hist, NP)
        ones = jnp.full((16,), 1.0, jnp.float32)

        @pl.loop(0, EPW, step=16)
        def _(i):
            idx = dstbuf[pl.ds(i, 16)]
            plsc.addupdate_scatter(hist, [idx], ones)

        pltpu.sync_copy(hist, deg_out.at[pl.ds(w * NP, NP)])

    return k(dst)


def _nm_to_col(v_nm, blk):
    rb = blk // D
    r8 = lax.broadcasted_iota(jnp.int32, (blk, rb), 0)
    a8 = lax.broadcasted_iota(jnp.int32, (blk, rb), 1)
    onehot = jnp.where(r8 // D == a8, 1.0, 0.0)
    b1 = jnp.dot(onehot, v_nm, preferred_element_type=jnp.float32)
    cc = lax.broadcasted_iota(jnp.int32, (blk, D), 1)
    rr = lax.broadcasted_iota(jnp.int32, (blk, D), 0)
    sel = jnp.where(cc == rr % D, b1, 0.0)
    return jnp.sum(sel, axis=1, keepdims=True)


def _tc_prep(deg3, xp, W1):
    BLK = 1024
    RB = BLK // D
    grid = NP // BLK

    def body(deg_ref, x_ref, w1_ref, dinv_ref, y_ref):
        i = pl.program_id(0)
        deg = jnp.sum(deg_ref[...], axis=0) + 1.0
        rows = i * BLK + lax.broadcasted_iota(jnp.int32, (RB, D), 0) * D \
            + lax.broadcasted_iota(jnp.int32, (RB, D), 1)
        dinv = jnp.where(rows < N, lax.rsqrt(deg), 0.0)
        dinv_ref[...] = dinv
        dcol = _nm_to_col(dinv, BLK)
        y_ref[...] = (
            jnp.dot(x_ref[...], w1_ref[...], preferred_element_type=jnp.float32)
            * dcol
        ).astype(jnp.bfloat16)

    return pl.pallas_call(
        body,
        grid=(grid,),
        in_specs=[
            pl.BlockSpec((NW, RB, D), lambda i: (0, i, 0)),
            pl.BlockSpec((BLK, D), lambda i: (i, 0)),
            pl.BlockSpec((D, D), lambda i: (0, 0)),
        ],
        out_specs=[
            pl.BlockSpec((RB, D), lambda i: (i, 0)),
            pl.BlockSpec((BLK, D), lambda i: (i, 0)),
        ],
        out_shape=[
            jax.ShapeDtypeStruct((NP // D, D), jnp.float32),
            jax.ShapeDtypeStruct((NP, D), jnp.bfloat16),
        ],
    )(deg3, xp, W1)


def _sc_agg(src, dst, dinv, y):

    @pl.kernel(
        out_type=[
            jax.ShapeDtypeStruct((NW * NP,), jnp.float32),
            jax.ShapeDtypeStruct((NC, NP, D), jnp.bfloat16),
        ],
        mesh=_mesh,
        compiler_params=_sc_params_nt,
        scratch_types=[
            pltpu.VMEM((CH,), jnp.int32),
            pltpu.VMEM((CH,), jnp.int32),
            pltpu.VMEM((NP,), jnp.float32),
            pltpu.VMEM((NP,), jnp.float32),
            pltpu.VMEM((K, D), jnp.bfloat16),
            pltpu.VMEM((K, D), jnp.bfloat16),
            pltpu.VMEM((K, D), jnp.bfloat16),
            pltpu.VMEM((K, D), jnp.bfloat16),
            pltpu.VMEM_SHARED((NP, D), jnp.bfloat16),
            pltpu.SemaphoreType.DMA,
            pltpu.SemaphoreType.DMA,
            pltpu.SemaphoreType.DMA,
            pltpu.SemaphoreType.DMA,
            pltpu.SemaphoreType.DMA,
            pltpu.SemaphoreType.DMA,
            pltpu.SemaphoreType.DMA,
            pltpu.SemaphoreType.DMA,
        ],
    )
    def k(src_hbm, dst_hbm, dinv_hbm, y_hbm, s_out, agg_out,
          srcbuf, dstbuf, dinvbuf, sbuf, rows0, rows1, rows2, rows3, acc,
          sem0, sem1, sem2, sem3, ssem0, ssem1, ssem2, ssem3):
        c = lax.axis_index("c")
        s = lax.axis_index("s")
        w = c * NS + s
        pltpu.sync_copy(dinv_hbm, dinvbuf)
        _zero_1d(sbuf, NP)

        zb = jnp.zeros((32,), jnp.bfloat16)

        @pl.loop(0, K)
        def _(r):
            @pl.loop(0, D, step=32)
            def _(j):
                rows0[r, pl.ds(j, 32)] = zb

        @pl.loop(0, NPT // K)
        def _(t):
            pltpu.sync_copy(rows0, acc.at[pl.ds(s * NPT + t * K, K)])

        plsc.subcore_barrier()

        def _gather(r, buf, sem):
            pltpu.async_copy(y_hbm.at[srcbuf.at[pl.ds(r, K)]], buf, sem)

        def _gwait(r, buf, sem):
            pltpu.make_async_copy(
                y_hbm.at[srcbuf.at[pl.ds(r, K)]], buf, sem
            ).wait()

        def _siss(r, buf, sem):
            pltpu.async_copy(buf, acc.at[dstbuf.at[pl.ds(r, K)]], sem,
                             add=True)

        def _swait(r, buf, sem):
            pltpu.make_async_copy(
                buf, acc.at[dstbuf.at[pl.ds(r, K)]], sem
            ).wait()

        pltpu.sync_copy(src_hbm.at[pl.ds(w * EPW, CH)], srcbuf)
        pltpu.sync_copy(dst_hbm.at[pl.ds(w * EPW, CH)], dstbuf)

        _gather(0, rows0, sem0)
        _gather(K, rows1, sem1)
        _gather(2 * K, rows2, sem2)
        _gather(3 * K, rows3, sem3)

        @pl.loop(0, CH, step=16)
        def _(i):
            didx = dstbuf[pl.ds(i, 16)]
            vals = plsc.load_gather(dinvbuf, [didx])
            sidx = srcbuf[pl.ds(i, 16)]
            plsc.addupdate_scatter(sbuf, [sidx], vals)

        @pl.loop(0, CH, step=4 * K)
        def _(r):
            _gwait(r, rows0, sem0)
            _siss(r, rows0, ssem0)
            _gwait(r + K, rows1, sem1)
            _siss(r + K, rows1, ssem1)
            _gwait(r + 2 * K, rows2, sem2)
            _siss(r + 2 * K, rows2, ssem2)
            _gwait(r + 3 * K, rows3, sem3)
            _siss(r + 3 * K, rows3, ssem3)

            @pl.when(r + 4 * K < CH)
            def _():
                _swait(r, rows0, ssem0)
                _gather(r + 4 * K, rows0, sem0)
                _swait(r + K, rows1, ssem1)
                _gather(r + 5 * K, rows1, sem1)
                _swait(r + 2 * K, rows2, ssem2)
                _gather(r + 6 * K, rows2, sem2)
                _swait(r + 3 * K, rows3, ssem3)
                _gather(r + 7 * K, rows3, sem3)

        _swait(CH - 4 * K, rows0, ssem0)
        _swait(CH - 3 * K, rows1, ssem1)
        _swait(CH - 2 * K, rows2, ssem2)
        _swait(CH - K, rows3, ssem3)

        pltpu.sync_copy(sbuf, s_out.at[pl.ds(w * NP, NP)])
        plsc.subcore_barrier()
        pltpu.sync_copy(
            acc.at[pl.ds(s * NPT, NPT)], agg_out.at[c, pl.ds(s * NPT, NPT)]
        )

    return k(src, dst, dinv, y)


def _tc_final(agg, y, dinv2, sp3, b1, W2, b2, WlT, bl):
    BLK = 1024
    grid = NP // BLK

    RB = BLK // D

    def body(agg_ref, y_ref, dinv_ref, sp_ref, b1_ref, w2_ref, b2_ref,
             wlt_ref, bl_ref, out_ref, acc_ref):
        i = pl.program_id(0)

        @pl.when(i == 0)
        def _():
            acc_ref[...] = jnp.zeros_like(acc_ref)

        dinv_nm = dinv_ref[...]
        sv_nm = jnp.sum(sp_ref[...], axis=0)
        wgt_nm = dinv_nm * sv_nm + dinv_nm * dinv_nm
        dcol = _nm_to_col(dinv_nm, BLK)
        wcol = _nm_to_col(wgt_nm, BLK)
        aggs = (
            agg_ref[0].astype(jnp.float32)
            + agg_ref[1].astype(jnp.float32)
            + y_ref[...].astype(jnp.float32)
        )
        h = dcol * aggs + b1_ref[...]
        h = jnp.where(h > 0, h, 0.01 * h)
        acc_ref[...] += jnp.sum(wcol * h, axis=0, keepdims=True)

        @pl.when(i == pl.num_programs(0) - 1)
        def _():
            pooled = acc_ref[...]
            t = (
                jnp.dot(pooled, w2_ref[...], preferred_element_type=jnp.float32)
                + N * b2_ref[...]
            )
            out_ref[...] = (
                jnp.dot(t, wlt_ref[...], preferred_element_type=jnp.float32)
                + bl_ref[...]
            )

    return pl.pallas_call(
        body,
        grid=(grid,),
        in_specs=[
            pl.BlockSpec((NC, BLK, D), lambda i: (0, i, 0)),
            pl.BlockSpec((BLK, D), lambda i: (i, 0)),
            pl.BlockSpec((RB, D), lambda i: (i, 0)),
            pl.BlockSpec((NW, RB, D), lambda i: (0, i, 0)),
            pl.BlockSpec((1, D), lambda i: (0, 0)),
            pl.BlockSpec((D, D), lambda i: (0, 0)),
            pl.BlockSpec((1, D), lambda i: (0, 0)),
            pl.BlockSpec((D, 2), lambda i: (0, 0)),
            pl.BlockSpec((1, 2), lambda i: (0, 0)),
        ],
        out_specs=pl.BlockSpec((1, 2), lambda i: (0, 0)),
        out_shape=jax.ShapeDtypeStruct((1, 2), jnp.float32),
        scratch_shapes=[pltpu.VMEM((1, D), jnp.float32)],
    )(agg, y, dinv2, sp3, b1, W2, b2, WlT, bl)


def kernel(x, edge_index, W1, b1, W2, b2, W_lin, b_lin):
    fake = N + (jnp.arange(EP - E, dtype=jnp.int32) % (NP - N))
    src = jnp.concatenate([edge_index[0].astype(jnp.int32), fake])
    dst = jnp.concatenate([edge_index[1].astype(jnp.int32), fake])

    deg_part = _sc_degree(dst)
    xp = jnp.pad(x, ((0, NP - N), (0, 0)))
    dinv_nm, y = _tc_prep(deg_part.reshape(NW, NP // D, D), xp, W1)
    dinv_flat = dinv_nm.reshape(NP)

    s_part, agg = _sc_agg(src, dst, dinv_flat, y)

    return _tc_final(
        agg, y, dinv_nm, s_part.reshape(NW, NP // D, D),
        b1.reshape(1, D), W2, b2.reshape(1, D), W_lin.T, b_lin.reshape(1, 2),
    )

# --- scband reference (transcript-rebuilt; emitter-appended) ---
"""Pipeline reference for scband-gcn-27144193311514 (READ-ONLY COPY).

The authoritative reference and input builder live on the scoring server;
editing this copy changes nothing except your own understanding.
"""

import jax, jax.numpy as jnp
import numpy as np

N_NODES = 10000
N_EDGES = 320000
DIM_IN = 128
DIM_H = 128
DIM_OUT = 128


def gcn_conv(x, edge_index, W, b, n):
    # PyG GCNConv: add self-loops, symmetric normalization, linear transform, scatter-add aggregation
    src = edge_index[0]
    dst = edge_index[1]
    loop = jnp.arange(n, dtype=src.dtype)
    src = jnp.concatenate([src, loop])
    dst = jnp.concatenate([dst, loop])
    # degree computed over destination (col) with unit edge weights
    deg = jnp.zeros((n,), dtype=x.dtype).at[dst].add(1.0)
    deg_inv_sqrt = jnp.where(deg > 0, 1.0 / jnp.sqrt(deg), 0.0)
    norm = deg_inv_sqrt[src] * deg_inv_sqrt[dst]
    xw = x @ W  # [n, out]
    msg = xw[src] * norm[:, None]
    out = jnp.zeros((n, W.shape[1]), dtype=x.dtype).at[dst].add(msg)
    return out + b


def setup_inputs(seed: int = 0) -> dict:
    key = jax.random.key(seed)
    k1, k2, k3, k4, k5 = jax.random.split(key, 5)
    x = jax.random.normal(k1, (N_NODES, DIM_IN), dtype=jnp.float32)
    edge_index = jax.random.randint(k2, (2, N_EDGES), 0, N_NODES, dtype=jnp.int64)
    s1 = 1.0 / np.sqrt(DIM_IN)
    s2 = 1.0 / np.sqrt(DIM_H)
    s3 = 1.0 / np.sqrt(DIM_OUT)
    W1 = jax.random.uniform(k3, (DIM_IN, DIM_H), minval=-s1, maxval=s1, dtype=jnp.float32)
    b1 = jnp.zeros((DIM_H,), dtype=jnp.float32)
    W2 = jax.random.uniform(k4, (DIM_H, DIM_OUT), minval=-s2, maxval=s2, dtype=jnp.float32)
    b2 = jnp.zeros((DIM_OUT,), dtype=jnp.float32)
    W_lin = jax.random.uniform(k5, (2, DIM_OUT), minval=-s3, maxval=s3, dtype=jnp.float32)
    b_lin = jnp.zeros((2,), dtype=jnp.float32)
    return {"x": x, "edge_index": edge_index, "W1": W1, "b1": b1, "W2": W2, "b2": b2, "W_lin": W_lin, "b_lin": b_lin}


def reference(x, edge_index, W1, b1, W2, b2, W_lin, b_lin):
    n = x.shape[0]
    h = gcn_conv(x, edge_index, W1, b1, n)
    h = jnp.where(h > 0, h, 0.01 * h)  # LeakyReLU(negative_slope=0.01)
    h = gcn_conv(h, edge_index, W2, b2, n)
    # global_add_pool with all-zero batch ids -> single graph sum
    pooled = jnp.sum(h, axis=0, keepdims=True)  # [1, DIM_OUT]
    # dropout is identity in eval mode
    out = pooled @ W_lin.T + b_lin  # [1, 2]
    return out

if __name__ == "__main__":
    import jax
    _d = setup_inputs()
    print(jax.jit(kernel)(*tuple(_d.values())))

</pallas_src>

<mosaic_0001>
#map = affine_map<(d0, d1) -> (0)>
#map1 = affine_map<(d0, d1) -> (0, 0)>
#map2 = affine_map<(d0, d1) -> (0, 0, 0)>
module attributes {stable_mosaic.version = 14 : i64} {
  func.func @k(%arg0: i32, %arg1: i32, %arg2: memref<327680xi32, #tpu.memory_space<hbm>>, %arg3: memref<327680xi32, #tpu.memory_space<hbm>>, %arg4: memref<10240xf32, #tpu.memory_space<hbm>>, %arg5: memref<10240x128xbf16, #tpu.memory_space<hbm>>, %arg6: memref<327680xf32, #tpu.memory_space<hbm>>, %arg7: memref<2x10240x128xbf16, #tpu.memory_space<hbm>>, %arg8: memref<10240xi32, #tpu.memory_space<vmem>>, %arg9: memref<10240xi32, #tpu.memory_space<vmem>>, %arg10: memref<10240xf32, #tpu.memory_space<vmem>>, %arg11: memref<10240xf32, #tpu.memory_space<vmem>>, %arg12: memref<128x128xbf16, #tpu.memory_space<vmem>>, %arg13: memref<128x128xbf16, #tpu.memory_space<vmem>>, %arg14: memref<128x128xbf16, #tpu.memory_space<vmem>>, %arg15: memref<128x128xbf16, #tpu.memory_space<vmem>>, %arg16: memref<10240x128xbf16, #tpu.memory_space<vmem_shared>>, %arg17: memref<!tpu.dma_semaphore, #tpu.memory_space<semaphore_mem>>, %arg18: memref<!tpu.dma_semaphore, #tpu.memory_space<semaphore_mem>>, %arg19: memref<!tpu.dma_semaphore, #tpu.memory_space<semaphore_mem>>, %arg20: memref<!tpu.dma_semaphore, #tpu.memory_space<semaphore_mem>>, %arg21: memref<!tpu.dma_semaphore, #tpu.memory_space<semaphore_mem>>, %arg22: memref<!tpu.dma_semaphore, #tpu.memory_space<semaphore_mem>>, %arg23: memref<!tpu.dma_semaphore, #tpu.memory_space<semaphore_mem>>, %arg24: memref<!tpu.dma_semaphore, #tpu.memory_space<semaphore_mem>>) attributes {dimension_semantics = [#tpu.dimension_semantics<core_parallel>, #tpu.dimension_semantics<subcore_parallel>], iteration_bounds = array<i64: 2, 16>, scalar_prefetch = 0 : i64, scratch_operands = 17 : i64, tpu.core_type = #tpu.core_type<sc_vector_subcore>, window_params = [{transform_indices = #map}, {transform_indices = #map}, {transform_indices = #map}, {transform_indices = #map1}, {transform_indices = #map}, {transform_indices = #map2}]} {
    %mul3A = arith.constant 16 : i32
    %mul3A_0 = arith.muli %arg0, %mul3A : i32
    %add3A = arith.addi %mul3A_0, %arg1 : i32
    "tpu.region"() ({
      %run_scoped3A = tpu.sem_alloc : memref<!tpu.dma_semaphore, #tpu.memory_space<semaphore_mem>>
      tpu.enqueue_dma source(%arg4 : memref<10240xf32, #tpu.memory_space<hbm>>) target(%arg10 : memref<10240xf32, #tpu.memory_space<vmem>>) target_semaphore(%run_scoped3A : memref<!tpu.dma_semaphore, #tpu.memory_space<semaphore_mem>>)
      tpu.wait_dma2 semaphore(%run_scoped3A : memref<!tpu.dma_semaphore, #tpu.memory_space<semaphore_mem>>) src(%arg4 : memref<10240xf32, #tpu.memory_space<hbm>>) dst(%arg10 : memref<10240xf32, #tpu.memory_space<vmem>>)
      tpu.yield
    }) : () -> ()
    %broadcast_in_dim3A = arith.constant 0.000000e+00 : f32
    %broadcast_in_dim3A_1 = vector.broadcast %broadcast_in_dim3A : f32 to vector<16xf32>
    %scan3A = arith.constant 0 : i32
    %scan3A_2 = arith.constant 640 : i32
    %scan3A_3 = arith.addi %scan3A, %scan3A_2 : i32
    %scan3A_4 = arith.constant 1 : i32
    scf.for %scan3A_77 = %scan3A to %scan3A_3 step %scan3A_4  : i32 {
      %mul3A_78 = arith.constant 16 : i32
      %mul3A_79 = arith.muli %scan3A_77, %mul3A_78 : i32
      %add3A_80 = arith.constant 0 : i32
      %add3A_81 = arith.addi %add3A_80, %mul3A_79 : i32
      %swap3A = arith.index_cast %add3A_81 : i32 to index
      %swap3A_82 = tpu.vector_load %arg11[%swap3A] {strides = array<i32>} : memref<10240xf32, #tpu.memory_space<vmem>>, vector<16xf32>,
      tpu.vector_store %arg11[%swap3A], %broadcast_in_dim3A_1 {strides = array<i32>} : memref<10240xf32, #tpu.memory_space<vmem>>, vector<16xf32>,
    }
    %scan3A_5 = arith.constant 640 : i32
    %broadcast_in_dim3A_6 = arith.constant 0.000000e+00 : bf16
    %broadcast_in_dim3A_7 = vector.broadcast %broadcast_in_dim3A_6 : bf16 to vector<32xbf16>
    %scan3A_8 = arith.constant 0 : i32
    %scan3A_9 = arith.constant 128 : i32
    %scan3A_10 = arith.addi %scan3A_8, %scan3A_9 : i32
    %scan3A_11 = arith.constant 1 : i32
    scf.for %scan3A_77 = %scan3A_8 to %scan3A_10 step %scan3A_11  : i32 {
      %mul3A_78 = arith.constant 1 : i32
      %mul3A_79 = arith.muli %scan3A_77, %mul3A_78 : i32
      %add3A_80 = arith.constant 0 : i32
      %add3A_81 = arith.addi %add3A_80, %mul3A_79 : i32
      %scan3A_82 = arith.constant 0 : i32
      %scan3A_83 = arith.constant 4 : i32
      %scan3A_84 = arith.addi %scan3A_82, %scan3A_83 : i32
      %scan3A_85 = arith.constant 1 : i32
      scf.for %scan3A_87 = %scan3A_82 to %scan3A_84 step %scan3A_85  : i32 {
        %mul3A_88 = arith.constant 32 : i32
        %mul3A_89 = arith.muli %scan3A_87, %mul3A_88 : i32
        %add3A_90 = arith.constant 0 : i32
        %add3A_91 = arith.addi %add3A_90, %mul3A_89 : i32
        %swap3A = arith.index_cast %add3A_81 : i32 to index
        %swap3A_92 = arith.index_cast %add3A_91 : i32 to index
        %swap3A_93 = tpu.vector_load %arg12[%swap3A, %swap3A_92] {strides = array<i32>} : memref<128x128xbf16, #tpu.memory_space<vmem>>, vector<32xbf16>,
        tpu.vector_store %arg12[%swap3A, %swap3A_92], %broadcast_in_dim3A_7 {strides = array<i32>} : memref<128x128xbf16, #tpu.memory_space<vmem>>, vector<32xbf16>,
      }
      %scan3A_86 = arith.constant 4 : i32
    }
    %scan3A_12 = arith.constant 128 : i32
    %scan3A_13 = arith.constant 0 : i32
    %scan3A_14 = arith.constant 5 : i32
    %scan3A_15 = arith.addi %scan3A_13, %scan3A_14 : i32
    %scan3A_16 = arith.constant 1 : i32
    scf.for %scan3A_77 = %scan3A_13 to %scan3A_15 step %scan3A_16  : i32 {
      %mul3A_78 = arith.constant 1 : i32
      %mul3A_79 = arith.muli %scan3A_77, %mul3A_78 : i32
      %add3A_80 = arith.constant 0 : i32
      %add3A_81 = arith.addi %add3A_80, %mul3A_79 : i32
      %mul3A_82 = arith.constant 640 : i32
      %mul3A_83 = arith.muli %arg1, %mul3A_82 : i32
      %mul3A_84 = arith.constant 128 : i32
      %mul3A_85 = arith.muli %add3A_81, %mul3A_84 : i32
      %add3A_86 = arith.addi %mul3A_83, %mul3A_85 : i32
      "tpu.region"() ({
        %run_scoped3A = tpu.sem_alloc : memref<!tpu.dma_semaphore, #tpu.memory_space<semaphore_mem>>
        %dma_start3A_87 = arith.constant 0 : i32
        %dma_start3A_88 = tpu.memref_slice %arg16[%add3A_86, %dma_start3A_87] : memref<10240x128xbf16, #tpu.memory_space<vmem_shared>> -> memref<128x128xbf16, #tpu.memory_space<vmem_shared>>
        %dma_start3A_89 = arith.constant 0 : i32
        %dma_start3A_90 = tpu.memref_slice %arg16[%add3A_86, %dma_start3A_89] : memref<10240x128xbf16, #tpu.memory_space<vmem_shared>> -> memref<128x128xbf16, #tpu.memory_space<vmem_shared>>
        tpu.enqueue_dma source(%arg12 : memref<128x128xbf16, #tpu.memory_space<vmem>>) target(%dma_start3A_90 : memref<128x128xbf16, #tpu.memory_space<vmem_shared>>) target_semaphore(%run_scoped3A : memref<!tpu.dma_semaphore, #tpu.memory_space<semaphore_mem>>)
        %dma_wait3A_91 = arith.constant 0 : i32
        %dma_wait3A_92 = tpu.memref_slice %arg16[%add3A_86, %dma_wait3A_91] : memref<10240x128xbf16, #tpu.memory_space<vmem_shared>> -> memref<128x128xbf16, #tpu.memory_space<vmem_shared>>
        %dma_wait3A_93 = arith.constant 0 : i32
        %dma_wait3A_94 = tpu.memref_slice %arg16[%add3A_86, %dma_wait3A_93] : memref<10240x128xbf16, #tpu.memory_space<vmem_shared>> -> memref<128x128xbf16, #tpu.memory_space<vmem_shared>>
        tpu.wait_dma2 semaphore(%run_scoped3A : memref<!tpu.dma_semaphore, #tpu.memory_space<semaphore_mem>>) src(%arg12 : memref<128x128xbf16, #tpu.memory_space<vmem>>) dst(%dma_wait3A_94 : memref<128x128xbf16, #tpu.memory_space<vmem_shared>>)
        tpu.yield
      }) : () -> ()
    }
    %scan3A_17 = arith.constant 5 : i32
    %barrier3A = arith.constant 0 : index
    tpu.barrier barrier_id(%barrier3A)
    %mul3A_18 = arith.constant 10240 : i32
    %mul3A_19 = arith.muli %add3A, %mul3A_18 : i32
    "tpu.region"() ({
      %run_scoped3A = tpu.sem_alloc : memref<!tpu.dma_semaphore, #tpu.memory_space<semaphore_mem>>
      %dma_start3A_77 = tpu.memref_slice %arg2[%mul3A_19] : memref<327680xi32, #tpu.memory_space<hbm>> -> memref<10240xi32, #tpu.memory_space<hbm>>
      %dma_start3A_78 = tpu.memref_slice %arg2[%mul3A_19] : memref<327680xi32, #tpu.memory_space<hbm>> -> memref<10240xi32, #tpu.memory_space<hbm>>
      tpu.enqueue_dma source(%dma_start3A_78 : memref<10240xi32, #tpu.memory_space<hbm>>) target(%arg8 : memref<10240xi32, #tpu.memory_space<vmem>>) target_semaphore(%run_scoped3A : memref<!tpu.dma_semaphore, #tpu.memory_space<semaphore_mem>>)
      %dma_wait3A_79 = tpu.memref_slice %arg2[%mul3A_19] : memref<327680xi32, #tpu.memory_space<hbm>> -> memref<10240xi32, #tpu.memory_space<hbm>>
      %dma_wait3A_80 = tpu.memref_slice %arg2[%mul3A_19] : memref<327680xi32, #tpu.memory_space<hbm>> -> memref<10240xi32, #tpu.memory_space<hbm>>
      tpu.wait_dma2 semaphore(%run_scoped3A : memref<!tpu.dma_semaphore, #tpu.memory_space<semaphore_mem>>) src(%dma_wait3A_80 : memref<10240xi32, #tpu.memory_space<hbm>>) dst(%arg8 : memref<10240xi32, #tpu.memory_space<vmem>>)
      tpu.yield
    }) : () -> ()
    %mul3A_20 = arith.constant 10240 : i32
    %mul3A_21 = arith.muli %add3A, %mul3A_20 : i32
    "tpu.region"() ({
      %run_scoped3A = tpu.sem_alloc : memref<!tpu.dma_semaphore, #tpu.memory_space<semaphore_mem>>
      %dma_start3A_77 = tpu.memref_slice %arg3[%mul3A_21] : memref<327680xi32, #tpu.memory_space<hbm>> -> memref<10240xi32, #tpu.memory_space<hbm>>
      %dma_start3A_78 = tpu.memref_slice %arg3[%mul3A_21] : memref<327680xi32, #tpu.memory_space<hbm>> -> memref<10240xi32, #tpu.memory_space<hbm>>
      tpu.enqueue_dma source(%dma_start3A_78 : memref<10240xi32, #tpu.memory_space<hbm>>) target(%arg9 : memref<10240xi32, #tpu.memory_space<vmem>>) target_semaphore(%run_scoped3A : memref<!tpu.dma_semaphore, #tpu.memory_space<semaphore_mem>>)
      %dma_wait3A_79 = tpu.memref_slice %arg3[%mul3A_21] : memref<327680xi32, #tpu.memory_space<hbm>> -> memref<10240xi32, #tpu.memory_space<hbm>>
      %dma_wait3A_80 = tpu.memref_slice %arg3[%mul3A_21] : memref<327680xi32, #tpu.memory_space<hbm>> -> memref<10240xi32, #tpu.memory_space<hbm>>
      tpu.wait_dma2 semaphore(%run_scoped3A : memref<!tpu.dma_semaphore, #tpu.memory_space<semaphore_mem>>) src(%dma_wait3A_80 : memref<10240xi32, #tpu.memory_space<hbm>>) dst(%arg9 : memref<10240xi32, #tpu.memory_space<vmem>>)
      tpu.yield
    }) : () -> ()
    %dma_start3A = arith.constant 0 : i32
    %dma_start3A_22 = tpu.memref_slice %arg8[%dma_start3A] : memref<10240xi32, #tpu.memory_space<vmem>> -> memref<128xi32, #tpu.memory_space<vmem>>
    %dma_start3A_23 = arith.constant 0 : i32
    %dma_start3A_24 = arith.constant 0 : i32
    %dma_start3A_25 = tpu.memref_slice %arg5[%dma_start3A_23, %dma_start3A_24] : memref<10240x128xbf16, #tpu.memory_space<hbm>> -> memref<10240x128xbf16, #tpu.memory_space<hbm>>
    tpu.enqueue_indirect_dma source(%dma_start3A_25 : memref<10240x128xbf16, #tpu.memory_space<hbm>>) target(%arg12 : memref<128x128xbf16, #tpu.memory_space<vmem>>) offsets(%dma_start3A_22 : memref<128xi32, #tpu.memory_space<vmem>>) semaphore(%arg17 : memref<!tpu.dma_semaphore, #tpu.memory_space<semaphore_mem>>)
    %dma_start3A_26 = arith.constant 128 : i32
    %dma_start3A_27 = tpu.memref_slice %arg8[%dma_start3A_26] : memref<10240xi32, #tpu.memory_space<vmem>> -> memref<128xi32, #tpu.memory_space<vmem>>
    %dma_start3A_28 = arith.constant 0 : i32
    %dma_start3A_29 = arith.constant 0 : i32
    %dma_start3A_30 = tpu.memref_slice %arg5[%dma_start3A_28, %dma_start3A_29] : memref<10240x128xbf16, #tpu.memory_space<hbm>> -> memref<10240x128xbf16, #tpu.memory_space<hbm>>
    tpu.enqueue_indirect_dma source(%dma_start3A_30 : memref<10240x128xbf16, #tpu.memory_space<hbm>>) target(%arg13 : memref<128x128xbf16, #tpu.memory_space<vmem>>) offsets(%dma_start3A_27 : memref<128xi32, #tpu.memory_space<vmem>>) semaphore(%arg18 : memref<!tpu.dma_semaphore, #tpu.memory_space<semaphore_mem>>)
    %dma_start3A_31 = arith.constant 256 : i32
    %dma_start3A_32 = tpu.memref_slice %arg8[%dma_start3A_31] : memref<10240xi32, #tpu.memory_space<vmem>> -> memref<128xi32, #tpu.memory_space<vmem>>
    %dma_start3A_33 = arith.constant 0 : i32
    %dma_start3A_34 = arith.constant 0 : i32
    %dma_start3A_35 = tpu.memref_slice %arg5[%dma_start3A_33, %dma_start3A_34] : memref<10240x128xbf16, #tpu.memory_space<hbm>> -> memref<10240x128xbf16, #tpu.memory_space<hbm>>
    tpu.enqueue_indirect_dma source(%dma_start3A_35 : memref<10240x128xbf16, #tpu.memory_space<hbm>>) target(%arg14 : memref<128x128xbf16, #tpu.memory_space<vmem>>) offsets(%dma_start3A_32 : memref<128xi32, #tpu.memory_space<vmem>>) semaphore(%arg19 : memref<!tpu.dma_semaphore, #tpu.memory_space<semaphore_mem>>)
    %dma_start3A_36 = arith.constant 384 : i32
    %dma_start3A_37 = tpu.memref_slice %arg8[%dma_start3A_36] : memref<10240xi32, #tpu.memory_space<vmem>> -> memref<128xi32, #tpu.memory_space<vmem>>
    %dma_start3A_38 = arith.constant 0 : i32
    %dma_start3A_39 = arith.constant 0 : i32
    %dma_start3A_40 = tpu.memref_slice %arg5[%dma_start3A_38, %dma_start3A_39] : memref<10240x128xbf16, #tpu.memory_space<hbm>> -> memref<10240x128xbf16, #tpu.memory_space<hbm>>
    tpu.enqueue_indirect_dma source(%dma_start3A_40 : memref<10240x128xbf16, #tpu.memory_space<hbm>>) target(%arg15 : memref<128x128xbf16, #tpu.memory_space<vmem>>) offsets(%dma_start3A_37 : memref<128xi32, #tpu.memory_space<vmem>>) semaphore(%arg20 : memref<!tpu.dma_semaphore, #tpu.memory_space<semaphore_mem>>)
    %scan3A_41 = arith.constant 0 : i32
    %scan3A_42 = arith.constant 640 : i32
    %scan3A_43 = arith.addi %scan3A_41, %scan3A_42 : i32
    %scan3A_44 = arith.constant 1 : i32
    scf.for %scan3A_77 = %scan3A_41 to %scan3A_43 step %scan3A_44  : i32 {
      %mul3A_78 = arith.constant 16 : i32
      %mul3A_79 = arith.muli %scan3A_77, %mul3A_78 : i32
      %add3A_80 = arith.constant 0 : i32
      %add3A_81 = arith.addi %add3A_80, %mul3A_79 : i32
      %get3A = arith.index_cast %add3A_81 : i32 to index
      %get3A_82 = tpu.vector_load %arg9[%get3A] {strides = array<i32>} : memref<10240xi32, #tpu.memory_space<vmem>>, vector<16xi32>,
      %gather3A = tpu.vector_load_idx %arg10[%get3A_82] : memref<10240xf32, #tpu.memory_space<vmem>>[vector<16xi32>], vector<16xf32>,
      %get3A_83 = arith.index_cast %add3A_81 : i32 to index
      %get3A_84 = tpu.vector_load %arg8[%get3A_83] {strides = array<i32>} : memref<10240xi32, #tpu.memory_space<vmem>>, vector<16xi32>,
      tpu.vector_store_idx %arg11[%get3A_84], %gather3A {add = true} : memref<10240xf32, #tpu.memory_space<vmem>>[vector<16xi32>], vector<16xf32>,
    }
    %scan3A_45 = arith.constant 640 : i32
    %scan3A_46 = arith.constant 0 : i32
    %scan3A_47 = arith.constant 20 : i32
    %scan3A_48 = arith.addi %scan3A_46, %scan3A_47 : i32
    %scan3A_49 = arith.constant 1 : i32
    scf.for %scan3A_77 = %scan3A_46 to %scan3A_48 step %scan3A_49  : i32 {
      %mul3A_78 = arith.constant 512 : i32
      %mul3A_79 = arith.muli %scan3A_77, %mul3A_78 : i32
      %add3A_80 = arith.constant 0 : i32
      %add3A_81 = arith.addi %add3A_80, %mul3A_79 : i32
      %dma_wait3A_82 = tpu.memref_slice %arg8[%add3A_81] : memref<10240xi32, #tpu.memory_space<vmem>> -> memref<128xi32, #tpu.memory_space<vmem>>
      %dma_wait3A_83 = arith.constant 0 : i32
      %dma_wait3A_84 = arith.constant 0 : i32
      %dma_wait3A_85 = tpu.memref_slice %arg5[%dma_wait3A_83, %dma_wait3A_84] : memref<10240x128xbf16, #tpu.memory_space<hbm>> -> memref<10240x128xbf16, #tpu.memory_space<hbm>>
      tpu.wait_indirect_dma semaphore(%arg17 : memref<!tpu.dma_semaphore, #tpu.memory_space<semaphore_mem>>) src(%dma_wait3A_85 : memref<10240x128xbf16, #tpu.memory_space<hbm>>) dst(%arg12 : memref<128x128xbf16, #tpu.memory_space<vmem>>)
      %dma_start3A_86 = tpu.memref_slice %arg9[%add3A_81] : memref<10240xi32, #tpu.memory_space<vmem>> -> memref<128xi32, #tpu.memory_space<vmem>>
      %dma_start3A_87 = arith.constant 0 : i32
      %dma_start3A_88 = arith.constant 0 : i32
      %dma_start3A_89 = tpu.memref_slice %arg16[%dma_start3A_87, %dma_start3A_88] : memref<10240x128xbf16, #tpu.memory_space<vmem_shared>> -> memref<10240x128xbf16, #tpu.memory_space<vmem_shared>>
      tpu.enqueue_indirect_dma source(%arg12 : memref<128x128xbf16, #tpu.memory_space<vmem>>) target(%dma_start3A_89 : memref<10240x128xbf16, #tpu.memory_space<vmem_shared>>) offsets(%dma_start3A_86 : memref<128xi32, #tpu.memory_space<vmem>>) semaphore(%arg21 : memref<!tpu.dma_semaphore, #tpu.memory_space<semaphore_mem>>) {add = true}
      %add3A_90 = arith.constant 128 : i32
      %add3A_91 = arith.addi %add3A_81, %add3A_90 : i32
      %dma_wait3A_92 = tpu.memref_slice %arg8[%add3A_91] : memref<10240xi32, #tpu.memory_space<vmem>> -> memref<128xi32, #tpu.memory_space<vmem>>
      %dma_wait3A_93 = arith.constant 0 : i32
      %dma_wait3A_94 = arith.constant 0 : i32
      %dma_wait3A_95 = tpu.memref_slice %arg5[%dma_wait3A_93, %dma_wait3A_94] : memref<10240x128xbf16, #tpu.memory_space<hbm>> -> memref<10240x128xbf16, #tpu.memory_space<hbm>>
      tpu.wait_indirect_dma semaphore(%arg18 : memref<!tpu.dma_semaphore, #tpu.memory_space<semaphore_mem>>) src(%dma_wait3A_95 : memref<10240x128xbf16, #tpu.memory_space<hbm>>) dst(%arg13 : memref<128x128xbf16, #tpu.memory_space<vmem>>)
      %add3A_96 = arith.constant 128 : i32
      %add3A_97 = arith.addi %add3A_81, %add3A_96 : i32
      %dma_start3A_98 = tpu.memref_slice %arg9[%add3A_97] : memref<10240xi32, #tpu.memory_space<vmem>> -> memref<128xi32, #tpu.memory_space<vmem>>
      %dma_start3A_99 = arith.constant 0 : i32
      %dma_start3A_100 = arith.constant 0 : i32
      %dma_start3A_101 = tpu.memref_slice %arg16[%dma_start3A_99, %dma_start3A_100] : memref<10240x128xbf16, #tpu.memory_space<vmem_shared>> -> memref<10240x128xbf16, #tpu.memory_space<vmem_shared>>
      tpu.enqueue_indirect_dma source(%arg13 : memref<128x128xbf16, #tpu.memory_space<vmem>>) target(%dma_start3A_101 : memref<10240x128xbf16, #tpu.memory_space<vmem_shared>>) offsets(%dma_start3A_98 : memref<128xi32, #tpu.memory_space<vmem>>) semaphore(%arg22 : memref<!tpu.dma_semaphore, #tpu.memory_space<semaphore_mem>>) {add = true}
      %add3A_102 = arith.constant 256 : i32
      %add3A_103 = arith.addi %add3A_81, %add3A_102 : i32
      %dma_wait3A_104 = tpu.memref_slice %arg8[%add3A_103] : memref<10240xi32, #tpu.memory_space<vmem>> -> memref<128xi32, #tpu.memory_space<vmem>>
      %dma_wait3A_105 = arith.constant 0 : i32
      %dma_wait3A_106 = arith.constant 0 : i32
      %dma_wait3A_107 = tpu.memref_slice %arg5[%dma_wait3A_105, %dma_wait3A_106] : memref<10240x128xbf16, #tpu.memory_space<hbm>> -> memref<10240x128xbf16, #tpu.memory_space<hbm>>
      tpu.wait_indirect_dma semaphore(%arg19 : memref<!tpu.dma_semaphore, #tpu.memory_space<semaphore_mem>>) src(%dma_wait3A_107 : memref<10240x128xbf16, #tpu.memory_space<hbm>>) dst(%arg14 : memref<128x128xbf16, #tpu.memory_space<vmem>>)
      %add3A_108 = arith.constant 256 : i32
      %add3A_109 = arith.addi %add3A_81, %add3A_108 : i32
      %dma_start3A_110 = tpu.memref_slice %arg9[%add3A_109] : memref<10240xi32, #tpu.memory_space<vmem>> -> memref<128xi32, #tpu.memory_space<vmem>>
      %dma_start3A_111 = arith.constant 0 : i32
      %dma_start3A_112 = arith.constant 0 : i32
      %dma_start3A_113 = tpu.memref_slice %arg16[%dma_start3A_111, %dma_start3A_112] : memref<10240x128xbf16, #tpu.memory_space<vmem_shared>> -> memref<10240x128xbf16, #tpu.memory_space<vmem_shared>>
      tpu.enqueue_indirect_dma source(%arg14 : memref<128x128xbf16, #tpu.memory_space<vmem>>) target(%dma_start3A_113 : memref<10240x128xbf16, #tpu.memory_space<vmem_shared>>) offsets(%dma_start3A_110 : memref<128xi32, #tpu.memory_space<vmem>>) semaphore(%arg23 : memref<!tpu.dma_semaphore, #tpu.memory_space<semaphore_mem>>) {add = true}
      %add3A_114 = arith.constant 384 : i32
      %add3A_115 = arith.addi %add3A_81, %add3A_114 : i32
      %dma_wait3A_116 = tpu.memref_slice %arg8[%add3A_115] : memref<10240xi32, #tpu.memory_space<vmem>> -> memref<128xi32, #tpu.memory_space<vmem>>
      %dma_wait3A_117 = arith.constant 0 : i32
      %dma_wait3A_118 = arith.constant 0 : i32
      %dma_wait3A_119 = tpu.memref_slice %arg5[%dma_wait3A_117, %dma_wait3A_118] : memref<10240x128xbf16, #tpu.memory_space<hbm>> -> memref<10240x128xbf16, #tpu.memory_space<hbm>>
      tpu.wait_indirect_dma semaphore(%arg20 : memref<!tpu.dma_semaphore, #tpu.memory_space<semaphore_mem>>) src(%dma_wait3A_119 : memref<10240x128xbf16, #tpu.memory_space<hbm>>) dst(%arg15 : memref<128x128xbf16, #tpu.memory_space<vmem>>)
      %add3A_120 = arith.constant 384 : i32
      %add3A_121 = arith.addi %add3A_81, %add3A_120 : i32
      %dma_start3A_122 = tpu.memref_slice %arg9[%add3A_121] : memref<10240xi32, #tpu.memory_space<vmem>> -> memref<128xi32, #tpu.memory_space<vmem>>
      %dma_start3A_123 = arith.constant 0 : i32
      %dma_start3A_124 = arith.constant 0 : i32
      %dma_start3A_125 = tpu.memref_slice %arg16[%dma_start3A_123, %dma_start3A_124] : memref<10240x128xbf16, #tpu.memory_space<vmem_shared>> -> memref<10240x128xbf16, #tpu.memory_space<vmem_shared>>
      tpu.enqueue_indirect_dma source(%arg15 : memref<128x128xbf16, #tpu.memory_space<vmem>>) target(%dma_start3A_125 : memref<10240x128xbf16, #tpu.memory_space<vmem_shared>>) offsets(%dma_start3A_122 : memref<128xi32, #tpu.memory_space<vmem>>) semaphore(%arg24 : memref<!tpu.dma_semaphore, #tpu.memory_space<semaphore_mem>>) {add = true}
      %add3A_126 = arith.constant 512 : i32
      %add3A_127 = arith.addi %add3A_81, %add3A_126 : i32
      %lt3A = arith.constant 10240 : i32
      %lt3A_128 = arith.cmpi slt, %add3A_127, %lt3A : i32
      %convert_element_type3A = arith.extui %lt3A_128 : i1 to i32
      %cond3A = arith.constant 0 : i32
      %cond3A_129 = arith.cmpi ne, %convert_element_type3A, %cond3A : i32
      scf.if %cond3A_129 {
        %dma_wait3A_130 = tpu.memref_slice %arg9[%add3A_81] : memref<10240xi32, #tpu.memory_space<vmem>> -> memref<128xi32, #tpu.memory_space<vmem>>
        %dma_wait3A_131 = arith.constant 0 : i32
        %dma_wait3A_132 = arith.constant 0 : i32
        %dma_wait3A_133 = tpu.memref_slice %arg16[%dma_wait3A_131, %dma_wait3A_132] : memref<10240x128xbf16, #tpu.memory_space<vmem_shared>> -> memref<10240x128xbf16, #tpu.memory_space<vmem_shared>>
        tpu.wait_indirect_dma semaphore(%arg21 : memref<!tpu.dma_semaphore, #tpu.memory_space<semaphore_mem>>) src(%arg12 : memref<128x128xbf16, #tpu.memory_space<vmem>>) dst(%dma_wait3A_133 : memref<10240x128xbf16, #tpu.memory_space<vmem_shared>>)
        %add3A_134 = arith.constant 512 : i32
        %add3A_135 = arith.addi %add3A_81, %add3A_134 : i32
        %dma_start3A_136 = tpu.memref_slice %arg8[%add3A_135] : memref<10240xi32, #tpu.memory_space<vmem>> -> memref<128xi32, #tpu.memory_space<vmem>>
        %dma_start3A_137 = arith.constant 0 : i32
        %dma_start3A_138 = arith.constant 0 : i32
        %dma_start3A_139 = tpu.memref_slice %arg5[%dma_start3A_137, %dma_start3A_138] : memref<10240x128xbf16, #tpu.memory_space<hbm>> -> memref<10240x128xbf16, #tpu.memory_space<hbm>>
        tpu.enqueue_indirect_dma source(%dma_start3A_139 : memref<10240x128xbf16, #tpu.memory_space<hbm>>) target(%arg12 : memref<128x128xbf16, #tpu.memory_space<vmem>>) offsets(%dma_start3A_136 : memref<128xi32, #tpu.memory_space<vmem>>) semaphore(%arg17 : memref<!tpu.dma_semaphore, #tpu.memory_space<semaphore_mem>>)
        %add3A_140 = arith.constant 128 : i32
        %add3A_141 = arith.addi %add3A_81, %add3A_140 : i32
        %dma_wait3A_142 = tpu.memref_slice %arg9[%add3A_141] : memref<10240xi32, #tpu.memory_space<vmem>> -> memref<128xi32, #tpu.memory_space<vmem>>
        %dma_wait3A_143 = arith.constant 0 : i32
        %dma_wait3A_144 = arith.constant 0 : i32
        %dma_wait3A_145 = tpu.memref_slice %arg16[%dma_wait3A_143, %dma_wait3A_144] : memref<10240x128xbf16, #tpu.memory_space<vmem_shared>> -> memref<10240x128xbf16, #tpu.memory_space<vmem_shared>>
        tpu.wait_indirect_dma semaphore(%arg22 : memref<!tpu.dma_semaphore, #tpu.memory_space<semaphore_mem>>) src(%arg13 : memref<128x128xbf16, #tpu.memory_space<vmem>>) dst(%dma_wait3A_145 : memref<10240x128xbf16, #tpu.memory_space<vmem_shared>>)
        %add3A_146 = arith.constant 640 : i32
        %add3A_147 = arith.addi %add3A_81, %add3A_146 : i32
        %dma_start3A_148 = tpu.memref_slice %arg8[%add3A_147] : memref<10240xi32, #tpu.memory_space<vmem>> -> memref<128xi32, #tpu.memory_space<vmem>>
        %dma_start3A_149 = arith.constant 0 : i32
        %dma_start3A_150 = arith.constant 0 : i32
        %dma_start3A_151 = tpu.memref_slice %arg5[%dma_start3A_149, %dma_start3A_150] : memref<10240x128xbf16, #tpu.memory_space<hbm>> -> memref<10240x128xbf16, #tpu.memory_space<hbm>>
        tpu.enqueue_indirect_dma source(%dma_start3A_151 : memref<10240x128xbf16, #tpu.memory_space<hbm>>) target(%arg13 : memref<128x128xbf16, #tpu.memory_space<vmem>>) offsets(%dma_start3A_148 : memref<128xi32, #tpu.memory_space<vmem>>) semaphore(%arg18 : memref<!tpu.dma_semaphore, #tpu.memory_space<semaphore_mem>>)
        %add3A_152 = arith.constant 256 : i32
        %add3A_153 = arith.addi %add3A_81, %add3A_152 : i32
        %dma_wait3A_154 = tpu.memref_slice %arg9[%add3A_153] : memref<10240xi32, #tpu.memory_space<vmem>> -> memref<128xi32, #tpu.memory_space<vmem>>
        %dma_wait3A_155 = arith.constant 0 : i32
        %dma_wait3A_156 = arith.constant 0 : i32
        %dma_wait3A_157 = tpu.memref_slice %arg16[%dma_wait3A_155, %dma_wait3A_156] : memref<10240x128xbf16, #tpu.memory_space<vmem_shared>> -> memref<10240x128xbf16, #tpu.memory_space<vmem_shared>>
        tpu.wait_indirect_dma semaphore(%arg23 : memref<!tpu.dma_semaphore, #tpu.memory_space<semaphore_mem>>) src(%arg14 : memref<128x128xbf16, #tpu.memory_space<vmem>>) dst(%dma_wait3A_157 : memref<10240x128xbf16, #tpu.memory_space<vmem_shared>>)
        %add3A_158 = arith.constant 768 : i32
        %add3A_159 = arith.addi %add3A_81, %add3A_158 : i32
        %dma_start3A_160 = tpu.memref_slice %arg8[%add3A_159] : memref<10240xi32, #tpu.memory_space<vmem>> -> memref<128xi32, #tpu.memory_space<vmem>>
        %dma_start3A_161 = arith.constant 0 : i32
        %dma_start3A_162 = arith.constant 0 : i32
        %dma_start3A_163 = tpu.memref_slice %arg5[%dma_start3A_161, %dma_start3A_162] : memref<10240x128xbf16, #tpu.memory_space<hbm>> -> memref<10240x128xbf16, #tpu.memory_space<hbm>>
        tpu.enqueue_indirect_dma source(%dma_start3A_163 : memref<10240x128xbf16, #tpu.memory_space<hbm>>) target(%arg14 : memref<128x128xbf16, #tpu.memory_space<vmem>>) offsets(%dma_start3A_160 : memref<128xi32, #tpu.memory_space<vmem>>) semaphore(%arg19 : memref<!tpu.dma_semaphore, #tpu.memory_space<semaphore_mem>>)
        %add3A_164 = arith.constant 384 : i32
        %add3A_165 = arith.addi %add3A_81, %add3A_164 : i32
        %dma_wait3A_166 = tpu.memref_slice %arg9[%add3A_165] : memref<10240xi32, #tpu.memory_space<vmem>> -> memref<128xi32, #tpu.memory_space<vmem>>
        %dma_wait3A_167 = arith.constant 0 : i32
        %dma_wait3A_168 = arith.constant 0 : i32
        %dma_wait3A_169 = tpu.memref_slice %arg16[%dma_wait3A_167, %dma_wait3A_168] : memref<10240x128xbf16, #tpu.memory_space<vmem_shared>> -> memref<10240x128xbf16, #tpu.memory_space<vmem_shared>>
        tpu.wait_indirect_dma semaphore(%arg24 : memref<!tpu.dma_semaphore, #tpu.memory_space<semaphore_mem>>) src(%arg15 : memref<128x128xbf16, #tpu.memory_space<vmem>>) dst(%dma_wait3A_169 : memref<10240x128xbf16, #tpu.memory_space<vmem_shared>>)
        %add3A_170 = arith.constant 896 : i32
        %add3A_171 = arith.addi %add3A_81, %add3A_170 : i32
        %dma_start3A_172 = tpu.memref_slice %arg8[%add3A_171] : memref<10240xi32, #tpu.memory_space<vmem>> -> memref<128xi32, #tpu.memory_space<vmem>>
        %dma_start3A_173 = arith.constant 0 : i32
        %dma_start3A_174 = arith.constant 0 : i32
        %dma_start3A_175 = tpu.memref_slice %arg5[%dma_start3A_173, %dma_start3A_174] : memref<10240x128xbf16, #tpu.memory_space<hbm>> -> memref<10240x128xbf16, #tpu.memory_space<hbm>>
        tpu.enqueue_indirect_dma source(%dma_start3A_175 : memref<10240x128xbf16, #tpu.memory_space<hbm>>) target(%arg15 : memref<128x128xbf16, #tpu.memory_space<vmem>>) offsets(%dma_start3A_172 : memref<128xi32, #tpu.memory_space<vmem>>) semaphore(%arg20 : memref<!tpu.dma_semaphore, #tpu.memory_space<semaphore_mem>>)
      } else {
      }
    }
    %scan3A_50 = arith.constant 20 : i32
    %dma_wait3A = arith.constant 9728 : i32
    %dma_wait3A_51 = tpu.memref_slice %arg9[%dma_wait3A] : memref<10240xi32, #tpu.memory_space<vmem>> -> memref<128xi32, #tpu.memory_space<vmem>>
    %dma_wait3A_52 = arith.constant 0 : i32
    %dma_wait3A_53 = arith.constant 0 : i32
    %dma_wait3A_54 = tpu.memref_slice %arg16[%dma_wait3A_52, %dma_wait3A_53] : memref<10240x128xbf16, #tpu.memory_space<vmem_shared>> -> memref<10240x128xbf16, #tpu.memory_space<vmem_shared>>
    tpu.wait_indirect_dma semaphore(%arg21 : memref<!tpu.dma_semaphore, #tpu.memory_space<semaphore_mem>>) src(%arg12 : memref<128x128xbf16, #tpu.memory_space<vmem>>) dst(%dma_wait3A_54 : memref<10240x128xbf16, #tpu.memory_space<vmem_shared>>)
    %dma_wait3A_55 = arith.constant 9856 : i32
    %dma_wait3A_56 = tpu.memref_slice %arg9[%dma_wait3A_55] : memref<10240xi32, #tpu.memory_space<vmem>> -> memref<128xi32, #tpu.memory_space<vmem>>
    %dma_wait3A_57 = arith.constant 0 : i32
    %dma_wait3A_58 = arith.constant 0 : i32
    %dma_wait3A_59 = tpu.memref_slice %arg16[%dma_wait3A_57, %dma_wait3A_58] : memref<10240x128xbf16, #tpu.memory_space<vmem_shared>> -> memref<10240x128xbf16, #tpu.memory_space<vmem_shared>>
    tpu.wait_indirect_dma semaphore(%arg22 : memref<!tpu.dma_semaphore, #tpu.memory_space<semaphore_mem>>) src(%arg13 : memref<128x128xbf16, #tpu.memory_space<vmem>>) dst(%dma_wait3A_59 : memref<10240x128xbf16, #tpu.memory_space<vmem_shared>>)
    %dma_wait3A_60 = arith.constant 9984 : i32
    %dma_wait3A_61 = tpu.memref_slice %arg9[%dma_wait3A_60] : memref<10240xi32, #tpu.memory_space<vmem>> -> memref<128xi32, #tpu.memory_space<vmem>>
    %dma_wait3A_62 = arith.constant 0 : i32
    %dma_wait3A_63 = arith.constant 0 : i32
    %dma_wait3A_64 = tpu.memref_slice %arg16[%dma_wait3A_62, %dma_wait3A_63] : memref<10240x128xbf16, #tpu.memory_space<vmem_shared>> -> memref<10240x128xbf16, #tpu.memory_space<vmem_shared>>
    tpu.wait_indirect_dma semaphore(%arg23 : memref<!tpu.dma_semaphore, #tpu.memory_space<semaphore_mem>>) src(%arg14 : memref<128x128xbf16, #tpu.memory_space<vmem>>) dst(%dma_wait3A_64 : memref<10240x128xbf16, #tpu.memory_space<vmem_shared>>)
    %dma_wait3A_65 = arith.constant 10112 : i32
    %dma_wait3A_66 = tpu.memref_slice %arg9[%dma_wait3A_65] : memref<10240xi32, #tpu.memory_space<vmem>> -> memref<128xi32, #tpu.memory_space<vmem>>
    %dma_wait3A_67 = arith.constant 0 : i32
    %dma_wait3A_68 = arith.constant 0 : i32
    %dma_wait3A_69 = tpu.memref_slice %arg16[%dma_wait3A_67, %dma_wait3A_68] : memref<10240x128xbf16, #tpu.memory_space<vmem_shared>> -> memref<10240x128xbf16, #tpu.memory_space<vmem_shared>>
    tpu.wait_indirect_dma semaphore(%arg24 : memref<!tpu.dma_semaphore, #tpu.memory_space<semaphore_mem>>) src(%arg15 : memref<128x128xbf16, #tpu.memory_space<vmem>>) dst(%dma_wait3A_69 : memref<10240x128xbf16, #tpu.memory_space<vmem_shared>>)
    %mul3A_70 = arith.constant 10240 : i32
    %mul3A_71 = arith.muli %add3A, %mul3A_70 : i32
    "tpu.region"() ({
      %run_scoped3A = tpu.sem_alloc : memref<!tpu.dma_semaphore, #tpu.memory_space<semaphore_mem>>
      %dma_start3A_77 = tpu.memref_slice %arg6[%mul3A_71] : memref<327680xf32, #tpu.memory_space<hbm>> -> memref<10240xf32, #tpu.memory_space<hbm>>
      %dma_start3A_78 = tpu.memref_slice %arg6[%mul3A_71] : memref<327680xf32, #tpu.memory_space<hbm>> -> memref<10240xf32, #tpu.memory_space<hbm>>
      tpu.enqueue_dma source(%arg11 : memref<10240xf32, #tpu.memory_space<vmem>>) target(%dma_start3A_78 : memref<10240xf32, #tpu.memory_space<hbm>>) target_semaphore(%run_scoped3A : memref<!tpu.dma_semaphore, #tpu.memory_space<semaphore_mem>>)
      %dma_wait3A_79 = tpu.memref_slice %arg6[%mul3A_71] : memref<327680xf32, #tpu.memory_space<hbm>> -> memref<10240xf32, #tpu.memory_space<hbm>>
      %dma_wait3A_80 = tpu.memref_slice %arg6[%mul3A_71] : memref<327680xf32, #tpu.memory_space<hbm>> -> memref<10240xf32, #tpu.memory_space<hbm>>
      tpu.wait_dma2 semaphore(%run_scoped3A : memref<!tpu.dma_semaphore, #tpu.memory_space<semaphore_mem>>) src(%arg11 : memref<10240xf32, #tpu.memory_space<vmem>>) dst(%dma_wait3A_80 : memref<10240xf32, #tpu.memory_space<hbm>>)
      tpu.yield
    }) : () -> ()
    %barrier3A_72 = arith.constant 0 : index
    tpu.barrier barrier_id(%barrier3A_72)
    %mul3A_73 = arith.constant 640 : i32
    %mul3A_74 = arith.muli %arg1, %mul3A_73 : i32
    %mul3A_75 = arith.constant 640 : i32
    %mul3A_76 = arith.muli %arg1, %mul3A_75 : i32
    "tpu.region"() ({
      %run_scoped3A = tpu.sem_alloc : memref<!tpu.dma_semaphore, #tpu.memory_space<semaphore_mem>>
      %dma_start3A_77 = arith.constant 0 : i32
      %dma_start3A_78 = tpu.memref_slice %arg7[%arg0, %mul3A_76, %dma_start3A_77] : memref<2x10240x128xbf16, #tpu.memory_space<hbm>> -> memref<1x640x128xbf16, #tpu.memory_space<hbm>>
      %dma_start3A_79 = tpu.memref_squeeze %dma_start3A_78 : memref<1x640x128xbf16, #tpu.memory_space<hbm>> -> memref<640x128xbf16, #tpu.memory_space<hbm>>
      %dma_start3A_80 = arith.constant 0 : i32
      %dma_start3A_81 = tpu.memref_slice %arg16[%mul3A_74, %dma_start3A_80] : memref<10240x128xbf16, #tpu.memory_space<vmem_shared>> -> memref<640x128xbf16, #tpu.memory_space<vmem_shared>>
      tpu.enqueue_dma source(%dma_start3A_81 : memref<640x128xbf16, #tpu.memory_space<vmem_shared>>) target(%dma_start3A_79 : memref<640x128xbf16, #tpu.memory_space<hbm>>) target_semaphore(%run_scoped3A : memref<!tpu.dma_semaphore, #tpu.memory_space<semaphore_mem>>)
      %dma_wait3A_82 = arith.constant 0 : i32
      %dma_wait3A_83 = tpu.memref_slice %arg7[%arg0, %mul3A_76, %dma_wait3A_82] : memref<2x10240x128xbf16, #tpu.memory_space<hbm>> -> memref<1x640x128xbf16, #tpu.memory_space<hbm>>
      %dma_wait3A_84 = tpu.memref_squeeze %dma_wait3A_83 : memref<1x640x128xbf16, #tpu.memory_space<hbm>> -> memref<640x128xbf16, #tpu.memory_space<hbm>>
      %dma_wait3A_85 = arith.constant 0 : i32
      %dma_wait3A_86 = tpu.memref_slice %arg16[%mul3A_74, %dma_wait3A_85] : memref<10240x128xbf16, #tpu.memory_space<vmem_shared>> -> memref<640x128xbf16, #tpu.memory_space<vmem_shared>>
      tpu.wait_dma2 semaphore(%run_scoped3A : memref<!tpu.dma_semaphore, #tpu.memory_space<semaphore_mem>>) src(%dma_wait3A_86 : memref<640x128xbf16, #tpu.memory_space<vmem_shared>>) dst(%dma_wait3A_84 : memref<640x128xbf16, #tpu.memory_space<hbm>>)
      tpu.yield
    }) : () -> ()
    return
  }
}

#map = affine_map<(d0, d1) -> (0)>
module attributes {stable_mosaic.version = 14 : i64} {
  func.func @k(%arg0: i32, %arg1: i32, %arg2: memref<327680xi32, #tpu.memory_space<hbm>>, %arg3: memref<327680xf32, #tpu.memory_space<hbm>>, %arg4: memref<10240xi32, #tpu.memory_space<vmem>>, %arg5: memref<10240xf32, #tpu.memory_space<vmem>>) attributes {dimension_semantics = [#tpu.dimension_semantics<core_parallel>, #tpu.dimension_semantics<subcore_parallel>], iteration_bounds = array<i64: 2, 16>, scalar_prefetch = 0 : i64, scratch_operands = 2 : i64, tpu.core_type = #tpu.core_type<sc_vector_subcore>, window_params = [{transform_indices = #map}, {transform_indices = #map}]} {
    %mul3A = arith.constant 16 : i32
    %mul3A_0 = arith.muli %arg0, %mul3A : i32
    %add3A = arith.addi %mul3A_0, %arg1 : i32
    %mul3A_1 = arith.constant 10240 : i32
    %mul3A_2 = arith.muli %add3A, %mul3A_1 : i32
    "tpu.region"() ({
      %run_scoped3A = tpu.sem_alloc : memref<!tpu.dma_semaphore, #tpu.memory_space<semaphore_mem>>
      %dma_start3A = tpu.memref_slice %arg2[%mul3A_2] : memref<327680xi32, #tpu.memory_space<hbm>> -> memref<10240xi32, #tpu.memory_space<hbm>>
      %dma_start3A_17 = tpu.memref_slice %arg2[%mul3A_2] : memref<327680xi32, #tpu.memory_space<hbm>> -> memref<10240xi32, #tpu.memory_space<hbm>>
      tpu.enqueue_dma source(%dma_start3A_17 : memref<10240xi32, #tpu.memory_space<hbm>>) target(%arg4 : memref<10240xi32, #tpu.memory_space<vmem>>) target_semaphore(%run_scoped3A : memref<!tpu.dma_semaphore, #tpu.memory_space<semaphore_mem>>)
      %dma_wait3A = tpu.memref_slice %arg2[%mul3A_2] : memref<327680xi32, #tpu.memory_space<hbm>> -> memref<10240xi32, #tpu.memory_space<hbm>>
      %dma_wait3A_18 = tpu.memref_slice %arg2[%mul3A_2] : memref<327680xi32, #tpu.memory_space<hbm>> -> memref<10240xi32, #tpu.memory_space<hbm>>
      tpu.wait_dma2 semaphore(%run_scoped3A : memref<!tpu.dma_semaphore, #tpu.memory_space<semaphore_mem>>) src(%dma_wait3A_18 : memref<10240xi32, #tpu.memory_space<hbm>>) dst(%arg4 : memref<10240xi32, #tpu.memory_space<vmem>>)
      tpu.yield
    }) : () -> ()
    %broadcast_in_dim3A = arith.constant 0.000000e+00 : f32
    %broadcast_in_dim3A_3 = vector.broadcast %broadcast_in_dim3A : f32 to vector<16xf32>
    %scan3A = arith.constant 0 : i32
    %scan3A_4 = arith.constant 640 : i32
    %scan3A_5 = arith.addi %scan3A, %scan3A_4 : i32
    %scan3A_6 = arith.constant 1 : i32
    scf.for %scan3A_17 = %scan3A to %scan3A_5 step %scan3A_6  : i32 {
      %mul3A_18 = arith.constant 16 : i32
      %mul3A_19 = arith.muli %scan3A_17, %mul3A_18 : i32
      %add3A_20 = arith.constant 0 : i32
      %add3A_21 = arith.addi %add3A_20, %mul3A_19 : i32
      %swap3A = arith.index_cast %add3A_21 : i32 to index
      %swap3A_22 = tpu.vector_load %arg5[%swap3A] {strides = array<i32>} : memref<10240xf32, #tpu.memory_space<vmem>>, vector<16xf32>,
      tpu.vector_store %arg5[%swap3A], %broadcast_in_dim3A_3 {strides = array<i32>} : memref<10240xf32, #tpu.memory_space<vmem>>, vector<16xf32>,
    }
    %scan3A_7 = arith.constant 640 : i32
    %broadcast_in_dim3A_8 = arith.constant 1.000000e+00 : f32
    %broadcast_in_dim3A_9 = vector.broadcast %broadcast_in_dim3A_8 : f32 to vector<16xf32>
    %scan3A_10 = arith.constant 0 : i32
    %scan3A_11 = arith.constant 640 : i32
    %scan3A_12 = arith.addi %scan3A_10, %scan3A_11 : i32
    %scan3A_13 = arith.constant 1 : i32
    scf.for %scan3A_17 = %scan3A_10 to %scan3A_12 step %scan3A_13  : i32 {
      %mul3A_18 = arith.constant 16 : i32
      %mul3A_19 = arith.muli %scan3A_17, %mul3A_18 : i32
      %add3A_20 = arith.constant 0 : i32
      %add3A_21 = arith.addi %add3A_20, %mul3A_19 : i32
      %get3A = arith.index_cast %add3A_21 : i32 to index
      %get3A_22 = tpu.vector_load %arg4[%get3A] {strides = array<i32>} : memref<10240xi32, #tpu.memory_space<vmem>>, vector<16xi32>,
      tpu.vector_store_idx %arg5[%get3A_22], %broadcast_in_dim3A_9 {add = true} : memref<10240xf32, #tpu.memory_space<vmem>>[vector<16xi32>], vector<16xf32>,
    }
    %scan3A_14 = arith.constant 640 : i32
    %mul3A_15 = arith.constant 10240 : i32
    %mul3A_16 = arith.muli %add3A, %mul3A_15 : i32
    "tpu.region"() ({
      %run_scoped3A = tpu.sem_alloc : memref<!tpu.dma_semaphore, #tpu.memory_space<semaphore_mem>>
      %dma_start3A = tpu.memref_slice %arg3[%mul3A_16] : memref<327680xf32, #tpu.memory_space<hbm>> -> memref<10240xf32, #tpu.memory_space<hbm>>
      %dma_start3A_17 = tpu.memref_slice %arg3[%mul3A_16] : memref<327680xf32, #tpu.memory_space<hbm>> -> memref<10240xf32, #tpu.memory_space<hbm>>
      tpu.enqueue_dma source(%arg5 : memref<10240xf32, #tpu.memory_space<vmem>>) target(%dma_start3A_17 : memref<10240xf32, #tpu.memory_space<hbm>>) target_semaphore(%run_scoped3A : memref<!tpu.dma_semaphore, #tpu.memory_space<semaphore_mem>>)
      %dma_wait3A = tpu.memref_slice %arg3[%mul3A_16] : memref<327680xf32, #tpu.memory_space<hbm>> -> memref<10240xf32, #tpu.memory_space<hbm>>
      %dma_wait3A_18 = tpu.memref_slice %arg3[%mul3A_16] : memref<327680xf32, #tpu.memory_space<hbm>> -> memref<10240xf32, #tpu.memory_space<hbm>>
      tpu.wait_dma2 semaphore(%run_scoped3A : memref<!tpu.dma_semaphore, #tpu.memory_space<semaphore_mem>>) src(%arg5 : memref<10240xf32, #tpu.memory_space<vmem>>) dst(%dma_wait3A_18 : memref<10240xf32, #tpu.memory_space<hbm>>)
      tpu.yield
    }) : () -> ()
    return
  }
}

module attributes {stable_mosaic.version = 14 : i64} {
  func.func @body(%arg0: i32, %arg1: memref<32x8x128xf32, #tpu.memory_space<vmem>>, %arg2: memref<1024x128xf32, #tpu.memory_space<vmem>>, %arg3: memref<128x128xf32, #tpu.memory_space<vmem>>, %arg4: memref<8x128xf32, #tpu.memory_space<vmem>>, %arg5: memref<1024x128xbf16, #tpu.memory_space<vmem>>) attributes {dimension_semantics = [#tpu.dimension_semantics<arbitrary>], iteration_bounds = array<i64: 10>, scalar_prefetch = 0 : i64, scratch_operands = 0 : i64, tpu.core_type = #tpu.core_type<tc>, window_params = [{transform_indices = @transform_0, window_bounds = array<i64: 32, 8, 128>}, {transform_indices = @transform_1, window_bounds = array<i64: 1024, 128>}, {pipeline_mode = #tpu.pipeline_mode<synchronous>, transform_indices = @transform_2, window_bounds = array<i64: 128, 128>}, {transform_indices = @transform_3, window_bounds = array<i64: 8, 128>}, {transform_indices = @transform_4, window_bounds = array<i64: 1024, 128>}]} {
    %get3A = arith.constant 0 : index
    %get3A_0 = arith.constant 0 : index
    %get3A_1 = arith.constant 0 : index
    %get3A_2 = vector.load %arg1[%get3A, %get3A_0, %get3A_1] : memref<32x8x128xf32, #tpu.memory_space<vmem>>, vector<32x8x128xf32>
    %reduce_sum3A = arith.constant dense<0.000000e+00> : vector<8x128xf32>
    %reduce_sum3A_3 = vector.multi_reduction <add>, %get3A_2, %reduce_sum3A [0] : vector<32x8x128xf32> to vector<8x128xf32>
    %add3A = arith.constant 1.000000e+00 : f32
    %add3A_4 = vector.broadcast %add3A : f32 to vector<8x128xf32>
    %add3A_5 = arith.addf %reduce_sum3A_3, %add3A_4 : vector<8x128xf32>
    %mul3A = arith.constant 1024 : i32
    %mul3A_6 = arith.muli %arg0, %mul3A : i32
    %iota3A = tpu.iota {dimensions = array<i32: 0>} : vector<8x128xi32>
    %mul3A_7 = arith.constant 128 : i32
    %mul3A_8 = vector.broadcast %mul3A_7 : i32 to vector<8x128xi32>
    %mul3A_9 = arith.muli %iota3A, %mul3A_8 : vector<8x128xi32>
    %add3A_10 = vector.broadcast %mul3A_6 : i32 to vector<8x128xi32>
    %add3A_11 = arith.addi %add3A_10, %mul3A_9 : vector<8x128xi32>
    %iota3A_12 = tpu.iota {dimensions = array<i32: 1>} : vector<8x128xi32>
    %add3A_13 = arith.addi %add3A_11, %iota3A_12 : vector<8x128xi32>
    %lt3A = arith.constant 10000 : i32
    %lt3A_14 = vector.broadcast %lt3A : i32 to vector<8x128xi32>
    %lt3A_15 = arith.cmpi slt, %add3A_13, %lt3A_14 : vector<8x128xi32>
    %rsqrt3A = math.rsqrt %add3A_5 : vector<8x128xf32>
    %jit3A = arith.constant 0.000000e+00 : f32
    %broadcast_in_dim3A = vector.broadcast %jit3A : f32 to vector<8x128xf32>
    %select_n3A = arith.select %lt3A_15, %rsqrt3A, %broadcast_in_dim3A : vector<8x128xi1>, vector<8x128xf32>
    %swap3A = arith.constant 0 : index
    %swap3A_16 = arith.constant 0 : index
    %swap3A_17 = vector.load %arg4[%swap3A, %swap3A_16] : memref<8x128xf32, #tpu.memory_space<vmem>>, vector<8x128xf32>
    tpu.vector_store %arg4[%swap3A, %swap3A_16], %select_n3A {strides = array<i32>} : memref<8x128xf32, #tpu.memory_space<vmem>>, vector<8x128xf32>,
    %iota3A_18 = tpu.iota {dimensions = array<i32: 0>} : vector<1024x8xi32>
    %iota3A_19 = tpu.iota {dimensions = array<i32: 1>} : vector<1024x8xi32>
    %jit3A_20 = arith.constant 128 : i32
    %div3A = vector.broadcast %jit3A_20 : i32 to vector<1024x8xi32>
    %div3A_21 = arith.divsi %iota3A_18, %div3A : vector<1024x8xi32>
    %sign3A = arith.constant 0 : i32
    %sign3A_22 = vector.broadcast %sign3A : i32 to vector<1024x8xi32>
    %sign3A_23 = arith.cmpi sgt, %iota3A_18, %sign3A_22 : vector<1024x8xi32>
    %sign3A_24 = arith.extui %sign3A_23 : vector<1024x8xi1> to vector<1024x8xi32>
    %sign3A_25 = arith.constant 0 : i32
    %sign3A_26 = vector.broadcast %sign3A_25 : i32 to vector<1024x8xi32>
    %sign3A_27 = arith.cmpi slt, %iota3A_18, %sign3A_26 : vector<1024x8xi32>
    %sign3A_28 = arith.extui %sign3A_27 : vector<1024x8xi1> to vector<1024x8xi32>
    %sign3A_29 = arith.subi %sign3A_24, %sign3A_28 : vector<1024x8xi32>
    %sign3A_30 = arith.constant 0 : i32
    %sign3A_31 = arith.cmpi sgt, %jit3A_20, %sign3A_30 : i32
    %sign3A_32 = arith.extui %sign3A_31 : i1 to i32
    %sign3A_33 = arith.constant 0 : i32
    %sign3A_34 = arith.cmpi slt, %jit3A_20, %sign3A_33 : i32
    %sign3A_35 = arith.extui %sign3A_34 : i1 to i32
    %sign3A_36 = arith.subi %sign3A_32, %sign3A_35 : i32
    %ne3A = vector.broadcast %sign3A_36 : i32 to vector<1024x8xi32>
    %ne3A_37 = arith.cmpi ne, %sign3A_29, %ne3A : vector<1024x8xi32>
    %rem3A = vector.broadcast %jit3A_20 : i32 to vector<1024x8xi32>
    %rem3A_38 = arith.remsi %iota3A_18, %rem3A : vector<1024x8xi32>
    %ne3A_39 = arith.constant 0 : i32
    %ne3A_40 = vector.broadcast %ne3A_39 : i32 to vector<1024x8xi32>
    %ne3A_41 = arith.cmpi ne, %rem3A_38, %ne3A_40 : vector<1024x8xi32>
    %and3A = arith.andi %ne3A_37, %ne3A_41 : vector<1024x8xi1>
    %sub3A = arith.constant 1 : i32
    %sub3A_42 = vector.broadcast %sub3A : i32 to vector<1024x8xi32>
    %sub3A_43 = arith.subi %div3A_21, %sub3A_42 : vector<1024x8xi32>
    %select_n3A_44 = arith.select %and3A, %sub3A_43, %div3A_21 : vector<1024x8xi1>, vector<1024x8xi32>
    %eq3A = arith.cmpi eq, %select_n3A_44, %iota3A_19 : vector<1024x8xi32>
    %jit3A_45 = arith.constant 1.000000e+00 : f32
    %jit3A_46 = arith.constant 0.000000e+00 : f32
    %broadcast_in_dim3A_47 = vector.broadcast %jit3A_45 : f32 to vector<1024x8xf32>
    %broadcast_in_dim3A_48 = vector.broadcast %jit3A_46 : f32 to vector<1024x8xf32>
    %select_n3A_49 = arith.select %eq3A, %broadcast_in_dim3A_47, %broadcast_in_dim3A_48 : vector<1024x8xi1>, vector<1024x8xf32>
    %dot_general3A = arith.constant dense<0.000000e+00> : vector<1024x128xf32>
    %dot_general3A_50 = tpu.matmul %select_n3A_49, %select_n3A, %dot_general3A {dimension_numbers = #tpu.dot_dimension_numbers<[1], [0], [0], [1], [0, 0, 1, 1], [], []>, transpose_lhs_hint = false} : vector<1024x8xf32>, vector<8x128xf32>, vector<1024x128xf32> -> vector<1024x128xf32>
    %iota3A_51 = tpu.iota {dimensions = array<i32: 1>} : vector<1024x128xi32>
    %iota3A_52 = tpu.iota {dimensions = array<i32: 0>} : vector<1024x128xi32>
    %jit3A_53 = arith.constant 128 : i32
    %eq3A_54 = arith.constant 0 : i32
    %eq3A_55 = arith.cmpi eq, %jit3A_53, %eq3A_54 : i32
    %jit3A_56 = arith.constant 1 : i32
    %select_n3A_57 = arith.select %eq3A_55, %jit3A_56, %jit3A_53 : i32
    %rem3A_58 = vector.broadcast %select_n3A_57 : i32 to vector<1024x128xi32>
    %rem3A_59 = arith.remsi %iota3A_52, %rem3A_58 : vector<1024x128xi32>
    %ne3A_60 = arith.constant 0 : i32
    %ne3A_61 = vector.broadcast %ne3A_60 : i32 to vector<1024x128xi32>
    %ne3A_62 = arith.cmpi ne, %rem3A_59, %ne3A_61 : vector<1024x128xi32>
    %lt3A_63 = arith.constant 0 : i32
    %lt3A_64 = vector.broadcast %lt3A_63 : i32 to vector<1024x128xi32>
    %lt3A_65 = arith.cmpi slt, %rem3A_59, %lt3A_64 : vector<1024x128xi32>
    %lt3A_66 = arith.constant 0 : i32
    %lt3A_67 = arith.cmpi slt, %select_n3A_57, %lt3A_66 : i32
    %ne3A_68 = vector.broadcast %lt3A_67 : i1 to vector<1024x128xi1>
    %ne3A_69 = vector.broadcast %ne3A_68 : vector<1024x128xi1> to vector<1024x128xi1>
    %ne3A_70 = arith.xori %lt3A_65, %ne3A_69 : vector<1024x128xi1>
    %and3A_71 = arith.andi %ne3A_70, %ne3A_62 : vector<1024x128xi1>
    %add3A_72 = vector.broadcast %select_n3A_57 : i32 to vector<1024x128xi32>
    %add3A_73 = arith.addi %rem3A_59, %add3A_72 : vector<1024x128xi32>
    %select_n3A_74 = arith.select %and3A_71, %add3A_73, %rem3A_59 : vector<1024x128xi1>, vector<1024x128xi32>
    %eq3A_75 = arith.cmpi eq, %iota3A_51, %select_n3A_74 : vector<1024x128xi32>
    %jit3A_76 = arith.constant 0.000000e+00 : f32
    %broadcast_in_dim3A_77 = vector.broadcast %jit3A_76 : f32 to vector<1024x128xf32>
    %select_n3A_78 = arith.select %eq3A_75, %dot_general3A_50, %broadcast_in_dim3A_77 : vector<1024x128xi1>, vector<1024x128xf32>
    %reduce_sum3A_79 = arith.constant dense<0.000000e+00> : vector<1024xf32>
    %reduce_sum3A_80 = vector.multi_reduction <add>, %select_n3A_78, %reduce_sum3A_79 [1] : vector<1024x128xf32> to vector<1024xf32>
    %broadcast_in_dim3A_81 = vector.shape_cast %reduce_sum3A_80 : vector<1024xf32> to vector<1024x1xf32>
    %get3A_82 = arith.constant 0 : index
    %get3A_83 = arith.constant 0 : index
    %get3A_84 = vector.load %arg2[%get3A_82, %get3A_83] : memref<1024x128xf32, #tpu.memory_space<vmem>>, vector<1024x128xf32>
    %get3A_85 = arith.constant 0 : index
    %get3A_86 = arith.constant 0 : index
    %get3A_87 = vector.load %arg3[%get3A_85, %get3A_86] : memref<128x128xf32, #tpu.memory_space<vmem>>, vector<128x128xf32>
    %dot_general3A_88 = arith.constant dense<0.000000e+00> : vector<1024x128xf32>
    %dot_general3A_89 = tpu.matmul %get3A_84, %get3A_87, %dot_general3A_88 {dimension_numbers = #tpu.dot_dimension_numbers<[1], [0], [0], [1], [0, 0, 1, 1], [], []>, transpose_lhs_hint = false} : vector<1024x128xf32>, vector<128x128xf32>, vector<1024x128xf32> -> vector<1024x128xf32>
    %mul3A_90 = vector.broadcast %broadcast_in_dim3A_81 : vector<1024x1xf32> to vector<1024x128xf32>
    %mul3A_91 = arith.mulf %dot_general3A_89, %mul3A_90 : vector<1024x128xf32>
    %convert_element_type3A = arith.truncf %mul3A_91 : vector<1024x128xf32> to vector<1024x128xbf16>
    %swap3A_92 = arith.constant 0 : index
    %swap3A_93 = arith.constant 0 : index
    %swap3A_94 = vector.load %arg5[%swap3A_92, %swap3A_93] : memref<1024x128xbf16, #tpu.memory_space<vmem>>, vector<1024x128xbf16>
    tpu.vector_store %arg5[%swap3A_92, %swap3A_93], %convert_element_type3A {strides = array<i32>} : memref<1024x128xbf16, #tpu.memory_space<vmem>>, vector<1024x128xbf16>,
    return
  }
  func.func @transform_0(%arg0: i32) -> (i32, i32, i32) {
    %c0_i32 = arith.constant 0 : i32
    %c0_i32_0 = arith.constant 0 : i32
    %c0_i32_1 = arith.constant 0 : i32
    return %c0_i32, %arg0, %c0_i32_0 : i32, i32, i32
  }
  func.func @transform_1(%arg0: i32) -> (i32, i32) {
    %c0_i32 = arith.constant 0 : i32
    %c0_i32_0 = arith.constant 0 : i32
    return %arg0, %c0_i32 : i32, i32
  }
  func.func @transform_2(%arg0: i32) -> (i32, i32) {
    %c0_i32 = arith.constant 0 : i32
    %c0_i32_0 = arith.constant 0 : i32
    %c0_i32_1 = arith.constant 0 : i32
    return %c0_i32, %c0_i32_0 : i32, i32
  }
  func.func @transform_3(%arg0: i32) -> (i32, i32) {
    %c0_i32 = arith.constant 0 : i32
    %c0_i32_0 = arith.constant 0 : i32
    return %arg0, %c0_i32 : i32, i32
  }
  func.func @transform_4(%arg0: i32) -> (i32, i32) {
    %c0_i32 = arith.constant 0 : i32
    %c0_i32_0 = arith.constant 0 : i32
    return %arg0, %c0_i32 : i32, i32
  }
}

module attributes {stable_mosaic.version = 14 : i64} {
  func.func @body(%arg0: i32, %arg1: memref<2x1024x128xbf16, #tpu.memory_space<vmem>>, %arg2: memref<1024x128xbf16, #tpu.memory_space<vmem>>, %arg3: memref<8x128xf32, #tpu.memory_space<vmem>>, %arg4: memref<32x8x128xf32, #tpu.memory_space<vmem>>, %arg5: memref<1x128xf32, #tpu.memory_space<vmem>>, %arg6: memref<128x128xf32, #tpu.memory_space<vmem>>, %arg7: memref<1x128xf32, #tpu.memory_space<vmem>>, %arg8: memref<128x2xf32, #tpu.memory_space<vmem>>, %arg9: memref<1x2xf32, #tpu.memory_space<vmem>>, %arg10: memref<1x2xf32, #tpu.memory_space<vmem>>, %arg11: memref<1x128xf32, #tpu.memory_space<vmem>>) attributes {dimension_semantics = [#tpu.dimension_semantics<arbitrary>], iteration_bounds = array<i64: 10>, scalar_prefetch = 0 : i64, scratch_operands = 1 : i64, tpu.core_type = #tpu.core_type<tc>, window_params = [{transform_indices = @transform_0, window_bounds = array<i64: 2, 1024, 128>}, {transform_indices = @transform_1, window_bounds = array<i64: 1024, 128>}, {transform_indices = @transform_2, window_bounds = array<i64: 8, 128>}, {transform_indices = @transform_3, window_bounds = array<i64: 32, 8, 128>}, {pipeline_mode = #tpu.pipeline_mode<synchronous>, transform_indices = @transform_4, window_bounds = array<i64: 1, 128>}, {pipeline_mode = #tpu.pipeline_mode<synchronous>, transform_indices = @transform_5, window_bounds = array<i64: 128, 128>}, {pipeline_mode = #tpu.pipeline_mode<synchronous>, transform_indices = @transform_6, window_bounds = array<i64: 1, 128>}, {pipeline_mode = #tpu.pipeline_mode<synchronous>, transform_indices = @transform_7, window_bounds = array<i64: 128, 2>}, {pipeline_mode = #tpu.pipeline_mode<synchronous>, transform_indices = @transform_8, window_bounds = array<i64: 1, 2>}, {pipeline_mode = #tpu.pipeline_mode<synchronous>, transform_indices = @transform_9, window_bounds = array<i64: 1, 2>}]} {
    %eq3A = arith.constant 0 : i32
    %eq3A_0 = arith.cmpi eq, %arg0, %eq3A : i32
    %convert_element_type3A = arith.extui %eq3A_0 : i1 to i32
    %cond3A = arith.constant 0 : i32
    %cond3A_1 = arith.cmpi ne, %convert_element_type3A, %cond3A : i32
    scf.if %cond3A_1 {
      %broadcast_in_dim3A_189 = arith.constant 0.000000e+00 : f32
      %broadcast_in_dim3A_190 = vector.broadcast %broadcast_in_dim3A_189 : f32 to vector<1x128xf32>
      %swap3A_191 = arith.constant 0 : index
      %swap3A_192 = arith.constant 0 : index
      %swap3A_193 = vector.load %arg11[%swap3A_191, %swap3A_192] : memref<1x128xf32, #tpu.memory_space<vmem>>, vector<1x128xf32>
      tpu.vector_store %arg11[%swap3A_191, %swap3A_192], %broadcast_in_dim3A_190 {strides = array<i32>} : memref<1x128xf32, #tpu.memory_space<vmem>>, vector<1x128xf32>,
    } else {
    }
    %get3A = arith.constant 0 : index
    %get3A_2 = arith.constant 0 : index
    %get3A_3 = vector.load %arg3[%get3A, %get3A_2] : memref<8x128xf32, #tpu.memory_space<vmem>>, vector<8x128xf32>
    %get3A_4 = arith.constant 0 : index
    %get3A_5 = arith.constant 0 : index
    %get3A_6 = arith.constant 0 : index
    %get3A_7 = vector.load %arg4[%get3A_4, %get3A_5, %get3A_6] : memref<32x8x128xf32, #tpu.memory_space<vmem>>, vector<32x8x128xf32>
    %reduce_sum3A = arith.constant dense<0.000000e+00> : vector<8x128xf32>
    %reduce_sum3A_8 = vector.multi_reduction <add>, %get3A_7, %reduce_sum3A [0] : vector<32x8x128xf32> to vector<8x128xf32>
    %mul3A = arith.mulf %get3A_3, %reduce_sum3A_8 : vector<8x128xf32>
    %mul3A_9 = arith.mulf %get3A_3, %get3A_3 : vector<8x128xf32>
    %add3A = arith.addf %mul3A, %mul3A_9 : vector<8x128xf32>
    %iota3A = tpu.iota {dimensions = array<i32: 0>} : vector<1024x8xi32>
    %iota3A_10 = tpu.iota {dimensions = array<i32: 1>} : vector<1024x8xi32>
    %jit3A = arith.constant 128 : i32
    %div3A = vector.broadcast %jit3A : i32 to vector<1024x8xi32>
    %div3A_11 = arith.divsi %iota3A, %div3A : vector<1024x8xi32>
    %sign3A = arith.constant 0 : i32
    %sign3A_12 = vector.broadcast %sign3A : i32 to vector<1024x8xi32>
    %sign3A_13 = arith.cmpi sgt, %iota3A, %sign3A_12 : vector<1024x8xi32>
    %sign3A_14 = arith.extui %sign3A_13 : vector<1024x8xi1> to vector<1024x8xi32>
    %sign3A_15 = arith.constant 0 : i32
    %sign3A_16 = vector.broadcast %sign3A_15 : i32 to vector<1024x8xi32>
    %sign3A_17 = arith.cmpi slt, %iota3A, %sign3A_16 : vector<1024x8xi32>
    %sign3A_18 = arith.extui %sign3A_17 : vector<1024x8xi1> to vector<1024x8xi32>
    %sign3A_19 = arith.subi %sign3A_14, %sign3A_18 : vector<1024x8xi32>
    %sign3A_20 = arith.constant 0 : i32
    %sign3A_21 = arith.cmpi sgt, %jit3A, %sign3A_20 : i32
    %sign3A_22 = arith.extui %sign3A_21 : i1 to i32
    %sign3A_23 = arith.constant 0 : i32
    %sign3A_24 = arith.cmpi slt, %jit3A, %sign3A_23 : i32
    %sign3A_25 = arith.extui %sign3A_24 : i1 to i32
    %sign3A_26 = arith.subi %sign3A_22, %sign3A_25 : i32
    %ne3A = vector.broadcast %sign3A_26 : i32 to vector<1024x8xi32>
    %ne3A_27 = arith.cmpi ne, %sign3A_19, %ne3A : vector<1024x8xi32>
    %rem3A = vector.broadcast %jit3A : i32 to vector<1024x8xi32>
    %rem3A_28 = arith.remsi %iota3A, %rem3A : vector<1024x8xi32>
    %ne3A_29 = arith.constant 0 : i32
    %ne3A_30 = vector.broadcast %ne3A_29 : i32 to vector<1024x8xi32>
    %ne3A_31 = arith.cmpi ne, %rem3A_28, %ne3A_30 : vector<1024x8xi32>
    %and3A = arith.andi %ne3A_27, %ne3A_31 : vector<1024x8xi1>
    %sub3A = arith.constant 1 : i32
    %sub3A_32 = vector.broadcast %sub3A : i32 to vector<1024x8xi32>
    %sub3A_33 = arith.subi %div3A_11, %sub3A_32 : vector<1024x8xi32>
    %select_n3A = arith.select %and3A, %sub3A_33, %div3A_11 : vector<1024x8xi1>, vector<1024x8xi32>
    %eq3A_34 = arith.cmpi eq, %select_n3A, %iota3A_10 : vector<1024x8xi32>
    %jit3A_35 = arith.constant 1.000000e+00 : f32
    %jit3A_36 = arith.constant 0.000000e+00 : f32
    %broadcast_in_dim3A = vector.broadcast %jit3A_35 : f32 to vector<1024x8xf32>
    %broadcast_in_dim3A_37 = vector.broadcast %jit3A_36 : f32 to vector<1024x8xf32>
    %select_n3A_38 = arith.select %eq3A_34, %broadcast_in_dim3A, %broadcast_in_dim3A_37 : vector<1024x8xi1>, vector<1024x8xf32>
    %dot_general3A = arith.constant dense<0.000000e+00> : vector<1024x128xf32>
    %dot_general3A_39 = tpu.matmul %select_n3A_38, %get3A_3, %dot_general3A {dimension_numbers = #tpu.dot_dimension_numbers<[1], [0], [0], [1], [0, 0, 1, 1], [], []>, transpose_lhs_hint = false} : vector<1024x8xf32>, vector<8x128xf32>, vector<1024x128xf32> -> vector<1024x128xf32>
    %iota3A_40 = tpu.iota {dimensions = array<i32: 1>} : vector<1024x128xi32>
    %iota3A_41 = tpu.iota {dimensions = array<i32: 0>} : vector<1024x128xi32>
    %jit3A_42 = arith.constant 128 : i32
    %eq3A_43 = arith.constant 0 : i32
    %eq3A_44 = arith.cmpi eq, %jit3A_42, %eq3A_43 : i32
    %jit3A_45 = arith.constant 1 : i32
    %select_n3A_46 = arith.select %eq3A_44, %jit3A_45, %jit3A_42 : i32
    %rem3A_47 = vector.broadcast %select_n3A_46 : i32 to vector<1024x128xi32>
    %rem3A_48 = arith.remsi %iota3A_41, %rem3A_47 : vector<1024x128xi32>
    %ne3A_49 = arith.constant 0 : i32
    %ne3A_50 = vector.broadcast %ne3A_49 : i32 to vector<1024x128xi32>
    %ne3A_51 = arith.cmpi ne, %rem3A_48, %ne3A_50 : vector<1024x128xi32>
    %lt3A = arith.constant 0 : i32
    %lt3A_52 = vector.broadcast %lt3A : i32 to vector<1024x128xi32>
    %lt3A_53 = arith.cmpi slt, %rem3A_48, %lt3A_52 : vector<1024x128xi32>
    %lt3A_54 = arith.constant 0 : i32
    %lt3A_55 = arith.cmpi slt, %select_n3A_46, %lt3A_54 : i32
    %ne3A_56 = vector.broadcast %lt3A_55 : i1 to vector<1024x128xi1>
    %ne3A_57 = vector.broadcast %ne3A_56 : vector<1024x128xi1> to vector<1024x128xi1>
    %ne3A_58 = arith.xori %lt3A_53, %ne3A_57 : vector<1024x128xi1>
    %and3A_59 = arith.andi %ne3A_58, %ne3A_51 : vector<1024x128xi1>
    %add3A_60 = vector.broadcast %select_n3A_46 : i32 to vector<1024x128xi32>
    %add3A_61 = arith.addi %rem3A_48, %add3A_60 : vector<1024x128xi32>
    %select_n3A_62 = arith.select %and3A_59, %add3A_61, %rem3A_48 : vector<1024x128xi1>, vector<1024x128xi32>
    %eq3A_63 = arith.cmpi eq, %iota3A_40, %select_n3A_62 : vector<1024x128xi32>
    %jit3A_64 = arith.constant 0.000000e+00 : f32
    %broadcast_in_dim3A_65 = vector.broadcast %jit3A_64 : f32 to vector<1024x128xf32>
    %select_n3A_66 = arith.select %eq3A_63, %dot_general3A_39, %broadcast_in_dim3A_65 : vector<1024x128xi1>, vector<1024x128xf32>
    %reduce_sum3A_67 = arith.constant dense<0.000000e+00> : vector<1024xf32>
    %reduce_sum3A_68 = vector.multi_reduction <add>, %select_n3A_66, %reduce_sum3A_67 [1] : vector<1024x128xf32> to vector<1024xf32>
    %broadcast_in_dim3A_69 = vector.shape_cast %reduce_sum3A_68 : vector<1024xf32> to vector<1024x1xf32>
    %iota3A_70 = tpu.iota {dimensions = array<i32: 0>} : vector<1024x8xi32>
    %iota3A_71 = tpu.iota {dimensions = array<i32: 1>} : vector<1024x8xi32>
    %jit3A_72 = arith.constant 128 : i32
    %div3A_73 = vector.broadcast %jit3A_72 : i32 to vector<1024x8xi32>
    %div3A_74 = arith.divsi %iota3A_70, %div3A_73 : vector<1024x8xi32>
    %sign3A_75 = arith.constant 0 : i32
    %sign3A_76 = vector.broadcast %sign3A_75 : i32 to vector<1024x8xi32>
    %sign3A_77 = arith.cmpi sgt, %iota3A_70, %sign3A_76 : vector<1024x8xi32>
    %sign3A_78 = arith.extui %sign3A_77 : vector<1024x8xi1> to vector<1024x8xi32>
    %sign3A_79 = arith.constant 0 : i32
    %sign3A_80 = vector.broadcast %sign3A_79 : i32 to vector<1024x8xi32>
    %sign3A_81 = arith.cmpi slt, %iota3A_70, %sign3A_80 : vector<1024x8xi32>
    %sign3A_82 = arith.extui %sign3A_81 : vector<1024x8xi1> to vector<1024x8xi32>
    %sign3A_83 = arith.subi %sign3A_78, %sign3A_82 : vector<1024x8xi32>
    %sign3A_84 = arith.constant 0 : i32
    %sign3A_85 = arith.cmpi sgt, %jit3A_72, %sign3A_84 : i32
    %sign3A_86 = arith.extui %sign3A_85 : i1 to i32
    %sign3A_87 = arith.constant 0 : i32
    %sign3A_88 = arith.cmpi slt, %jit3A_72, %sign3A_87 : i32
    %sign3A_89 = arith.extui %sign3A_88 : i1 to i32
    %sign3A_90 = arith.subi %sign3A_86, %sign3A_89 : i32
    %ne3A_91 = vector.broadcast %sign3A_90 : i32 to vector<1024x8xi32>
    %ne3A_92 = arith.cmpi ne, %sign3A_83, %ne3A_91 : vector<1024x8xi32>
    %rem3A_93 = vector.broadcast %jit3A_72 : i32 to vector<1024x8xi32>
    %rem3A_94 = arith.remsi %iota3A_70, %rem3A_93 : vector<1024x8xi32>
    %ne3A_95 = arith.constant 0 : i32
    %ne3A_96 = vector.broadcast %ne3A_95 : i32 to vector<1024x8xi32>
    %ne3A_97 = arith.cmpi ne, %rem3A_94, %ne3A_96 : vector<1024x8xi32>
    %and3A_98 = arith.andi %ne3A_92, %ne3A_97 : vector<1024x8xi1>
    %sub3A_99 = arith.constant 1 : i32
    %sub3A_100 = vector.broadcast %sub3A_99 : i32 to vector<1024x8xi32>
    %sub3A_101 = arith.subi %div3A_74, %sub3A_100 : vector<1024x8xi32>
    %select_n3A_102 = arith.select %and3A_98, %sub3A_101, %div3A_74 : vector<1024x8xi1>, vector<1024x8xi32>
    %eq3A_103 = arith.cmpi eq, %select_n3A_102, %iota3A_71 : vector<1024x8xi32>
    %jit3A_104 = arith.constant 1.000000e+00 : f32
    %jit3A_105 = arith.constant 0.000000e+00 : f32
    %broadcast_in_dim3A_106 = vector.broadcast %jit3A_104 : f32 to vector<1024x8xf32>
    %broadcast_in_dim3A_107 = vector.broadcast %jit3A_105 : f32 to vector<1024x8xf32>
    %select_n3A_108 = arith.select %eq3A_103, %broadcast_in_dim3A_106, %broadcast_in_dim3A_107 : vector<1024x8xi1>, vector<1024x8xf32>
    %dot_general3A_109 = arith.constant dense<0.000000e+00> : vector<1024x128xf32>
    %dot_general3A_110 = tpu.matmul %select_n3A_108, %add3A, %dot_general3A_109 {dimension_numbers = #tpu.dot_dimension_numbers<[1], [0], [0], [1], [0, 0, 1, 1], [], []>, transpose_lhs_hint = false} : vector<1024x8xf32>, vector<8x128xf32>, vector<1024x128xf32> -> vector<1024x128xf32>
    %iota3A_111 = tpu.iota {dimensions = array<i32: 1>} : vector<1024x128xi32>
    %iota3A_112 = tpu.iota {dimensions = array<i32: 0>} : vector<1024x128xi32>
    %jit3A_113 = arith.constant 128 : i32
    %eq3A_114 = arith.constant 0 : i32
    %eq3A_115 = arith.cmpi eq, %jit3A_113, %eq3A_114 : i32
    %jit3A_116 = arith.constant 1 : i32
    %select_n3A_117 = arith.select %eq3A_115, %jit3A_116, %jit3A_113 : i32
    %rem3A_118 = vector.broadcast %select_n3A_117 : i32 to vector<1024x128xi32>
    %rem3A_119 = arith.remsi %iota3A_112, %rem3A_118 : vector<1024x128xi32>
    %ne3A_120 = arith.constant 0 : i32
    %ne3A_121 = vector.broadcast %ne3A_120 : i32 to vector<1024x128xi32>
    %ne3A_122 = arith.cmpi ne, %rem3A_119, %ne3A_121 : vector<1024x128xi32>
    %lt3A_123 = arith.constant 0 : i32
    %lt3A_124 = vector.broadcast %lt3A_123 : i32 to vector<1024x128xi32>
    %lt3A_125 = arith.cmpi slt, %rem3A_119, %lt3A_124 : vector<1024x128xi32>
    %lt3A_126 = arith.constant 0 : i32
    %lt3A_127 = arith.cmpi slt, %select_n3A_117, %lt3A_126 : i32
    %ne3A_128 = vector.broadcast %lt3A_127 : i1 to vector<1024x128xi1>
    %ne3A_129 = vector.broadcast %ne3A_128 : vector<1024x128xi1> to vector<1024x128xi1>
    %ne3A_130 = arith.xori %lt3A_125, %ne3A_129 : vector<1024x128xi1>
    %and3A_131 = arith.andi %ne3A_130, %ne3A_122 : vector<1024x128xi1>
    %add3A_132 = vector.broadcast %select_n3A_117 : i32 to vector<1024x128xi32>
    %add3A_133 = arith.addi %rem3A_119, %add3A_132 : vector<1024x128xi32>
    %select_n3A_134 = arith.select %and3A_131, %add3A_133, %rem3A_119 : vector<1024x128xi1>, vector<1024x128xi32>
    %eq3A_135 = arith.cmpi eq, %iota3A_111, %select_n3A_134 : vector<1024x128xi32>
    %jit3A_136 = arith.constant 0.000000e+00 : f32
    %broadcast_in_dim3A_137 = vector.broadcast %jit3A_136 : f32 to vector<1024x128xf32>
    %select_n3A_138 = arith.select %eq3A_135, %dot_general3A_110, %broadcast_in_dim3A_137 : vector<1024x128xi1>, vector<1024x128xf32>
    %reduce_sum3A_139 = arith.constant dense<0.000000e+00> : vector<1024xf32>
    %reduce_sum3A_140 = vector.multi_reduction <add>, %select_n3A_138, %reduce_sum3A_139 [1] : vector<1024x128xf32> to vector<1024xf32>
    %broadcast_in_dim3A_141 = vector.shape_cast %reduce_sum3A_140 : vector<1024xf32> to vector<1024x1xf32>
    %get3A_142 = arith.constant 0 : index
    %get3A_143 = arith.constant 0 : index
    %get3A_144 = arith.constant 0 : index
    %get3A_145 = vector.load %arg1[%get3A_142, %get3A_143, %get3A_144] : memref<2x1024x128xbf16, #tpu.memory_space<vmem>>, vector<1x1024x128xbf16>
    %get3A_146 = vector.shape_cast %get3A_145 : vector<1x1024x128xbf16> to vector<1024x128xbf16>
    %convert_element_type3A_147 = arith.extf %get3A_146 : vector<1024x128xbf16> to vector<1024x128xf32>
    %get3A_148 = arith.constant 1 : index
    %get3A_149 = arith.constant 0 : index
    %get3A_150 = arith.constant 0 : index
    %get3A_151 = vector.load %arg1[%get3A_148, %get3A_149, %get3A_150] : memref<2x1024x128xbf16, #tpu.memory_space<vmem>>, vector<1x1024x128xbf16>
    %get3A_152 = vector.shape_cast %get3A_151 : vector<1x1024x128xbf16> to vector<1024x128xbf16>
    %convert_element_type3A_153 = arith.extf %get3A_152 : vector<1024x128xbf16> to vector<1024x128xf32>
    %add3A_154 = arith.addf %convert_element_type3A_147, %convert_element_type3A_153 : vector<1024x128xf32>
    %get3A_155 = arith.constant 0 : index
    %get3A_156 = arith.constant 0 : index
    %get3A_157 = vector.load %arg2[%get3A_155, %get3A_156] : memref<1024x128xbf16, #tpu.memory_space<vmem>>, vector<1024x128xbf16>
    %convert_element_type3A_158 = arith.extf %get3A_157 : vector<1024x128xbf16> to vector<1024x128xf32>
    %add3A_159 = arith.addf %add3A_154, %convert_element_type3A_158 : vector<1024x128xf32>
    %mul3A_160 = vector.broadcast %broadcast_in_dim3A_69 : vector<1024x1xf32> to vector<1024x128xf32>
    %mul3A_161 = arith.mulf %mul3A_160, %add3A_159 : vector<1024x128xf32>
    %get3A_162 = arith.constant 0 : index
    %get3A_163 = arith.constant 0 : index
    %get3A_164 = vector.load %arg5[%get3A_162, %get3A_163] : memref<1x128xf32, #tpu.memory_space<vmem>>, vector<1x128xf32>
    %add3A_165 = vector.broadcast %get3A_164 : vector<1x128xf32> to vector<1024x128xf32>
    %add3A_166 = arith.addf %mul3A_161, %add3A_165 : vector<1024x128xf32>
    %gt3A = arith.constant 0.000000e+00 : f32
    %gt3A_167 = vector.broadcast %gt3A : f32 to vector<1024x128xf32>
    %gt3A_168 = arith.cmpf ogt, %add3A_166, %gt3A_167 : vector<1024x128xf32>
    %mul3A_169 = arith.constant 0.00999999977 : f32
    %mul3A_170 = vector.broadcast %mul3A_169 : f32 to vector<1024x128xf32>
    %mul3A_171 = arith.mulf %mul3A_170, %add3A_166 : vector<1024x128xf32>
    %select_n3A_172 = arith.select %gt3A_168, %add3A_166, %mul3A_171 : vector<1024x128xi1>, vector<1024x128xf32>
    %get3A_173 = arith.constant 0 : index
    %get3A_174 = arith.constant 0 : index
    %get3A_175 = vector.load %arg11[%get3A_173, %get3A_174] : memref<1x128xf32, #tpu.memory_space<vmem>>, vector<1x128xf32>
    %mul3A_176 = vector.broadcast %broadcast_in_dim3A_141 : vector<1024x1xf32> to vector<1024x128xf32>
    %mul3A_177 = arith.mulf %mul3A_176, %select_n3A_172 : vector<1024x128xf32>
    %reduce_sum3A_178 = arith.constant dense<0.000000e+00> : vector<128xf32>
    %reduce_sum3A_179 = vector.multi_reduction <add>, %mul3A_177, %reduce_sum3A_178 [0] : vector<1024x128xf32> to vector<128xf32>
    %broadcast_in_dim3A_180 = vector.shape_cast %reduce_sum3A_179 : vector<128xf32> to vector<1x128xf32>
    %add3A_181 = arith.addf %get3A_175, %broadcast_in_dim3A_180 : vector<1x128xf32>
    %swap3A = arith.constant 0 : index
    %swap3A_182 = arith.constant 0 : index
    %swap3A_183 = vector.load %arg11[%swap3A, %swap3A_182] : memref<1x128xf32, #tpu.memory_space<vmem>>, vector<1x128xf32>
    tpu.vector_store %arg11[%swap3A, %swap3A_182], %add3A_181 {strides = array<i32>} : memref<1x128xf32, #tpu.memory_space<vmem>>, vector<1x128xf32>,
    %eq3A_184 = arith.constant 9 : i32
    %eq3A_185 = arith.cmpi eq, %arg0, %eq3A_184 : i32
    %convert_element_type3A_186 = arith.extui %eq3A_185 : i1 to i32
    %cond3A_187 = arith.constant 0 : i32
    %cond3A_188 = arith.cmpi ne, %convert_element_type3A_186, %cond3A_187 : i32
    scf.if %cond3A_188 {
      %get3A_189 = arith.constant 0 : index
      %get3A_190 = arith.constant 0 : index
      %get3A_191 = vector.load %arg11[%get3A_189, %get3A_190] : memref<1x128xf32, #tpu.memory_space<vmem>>, vector<1x128xf32>
      %get3A_192 = arith.constant 0 : index
      %get3A_193 = arith.constant 0 : index
      %get3A_194 = vector.load %arg6[%get3A_192, %get3A_193] : memref<128x128xf32, #tpu.memory_space<vmem>>, vector<128x128xf32>
      %dot_general3A_195 = arith.constant dense<0.000000e+00> : vector<1x128xf32>
      %dot_general3A_196 = tpu.matmul %get3A_191, %get3A_194, %dot_general3A_195 {dimension_numbers = #tpu.dot_dimension_numbers<[1], [0], [0], [1], [0, 0, 1, 1], [], []>, transpose_lhs_hint = false} : vector<1x128xf32>, vector<128x128xf32>, vector<1x128xf32> -> vector<1x128xf32>
      %get3A_197 = arith.constant 0 : index
      %get3A_198 = arith.constant 0 : index
      %get3A_199 = vector.load %arg7[%get3A_197, %get3A_198] : memref<1x128xf32, #tpu.memory_space<vmem>>, vector<1x128xf32>
      %mul3A_200 = arith.constant 1.000000e+04 : f32
      %mul3A_201 = vector.broadcast %mul3A_200 : f32 to vector<1x128xf32>
      %mul3A_202 = arith.mulf %mul3A_201, %get3A_199 : vector<1x128xf32>
      %add3A_203 = arith.addf %dot_general3A_196, %mul3A_202 : vector<1x128xf32>
      %get3A_204 = arith.constant 0 : index
      %get3A_205 = arith.constant 0 : index
      %get3A_206 = vector.load %arg8[%get3A_204, %get3A_205] : memref<128x2xf32, #tpu.memory_space<vmem>>, vector<128x2xf32>
      %dot_general3A_207 = arith.constant dense<0.000000e+00> : vector<1x2xf32>
      %dot_general3A_208 = tpu.matmul %add3A_203, %get3A_206, %dot_general3A_207 {dimension_numbers = #tpu.dot_dimension_numbers<[1], [0], [0], [1], [0, 0, 1, 1], [], []>, transpose_lhs_hint = false} : vector<1x128xf32>, vector<128x2xf32>, vector<1x2xf32> -> vector<1x2xf32>
      %get3A_209 = arith.constant 0 : index
      %get3A_210 = arith.constant 0 : index
      %get3A_211 = vector.load %arg9[%get3A_209, %get3A_210] : memref<1x2xf32, #tpu.memory_space<vmem>>, vector<1x2xf32>
      %add3A_212 = arith.addf %dot_general3A_208, %get3A_211 : vector<1x2xf32>
      %swap3A_213 = arith.constant 0 : index
      %swap3A_214 = arith.constant 0 : index
      %swap3A_215 = vector.load %arg10[%swap3A_213, %swap3A_214] : memref<1x2xf32, #tpu.memory_space<vmem>>, vector<1x2xf32>
      tpu.vector_store %arg10[%swap3A_213, %swap3A_214], %add3A_212 {strides = array<i32>} : memref<1x2xf32, #tpu.memory_space<vmem>>, vector<1x2xf32>,
    } else {
    }
    return
  }
  func.func @transform_0(%arg0: i32) -> (i32, i32, i32) {
    %c0_i32 = arith.constant 0 : i32
    %c0_i32_0 = arith.constant 0 : i32
    %c0_i32_1 = arith.constant 0 : i32
    return %c0_i32, %arg0, %c0_i32_0 : i32, i32, i32
  }
  func.func @transform_1(%arg0: i32) -> (i32, i32) {
    %c0_i32 = arith.constant 0 : i32
    %c0_i32_0 = arith.constant 0 : i32
    return %arg0, %c0_i32 : i32, i32
  }
  func.func @transform_2(%arg0: i32) -> (i32, i32) {
    %c0_i32 = arith.constant 0 : i32
    %c0_i32_0 = arith.constant 0 : i32
    return %arg0, %c0_i32 : i32, i32
  }
  func.func @transform_3(%arg0: i32) -> (i32, i32, i32) {
    %c0_i32 = arith.constant 0 : i32
    %c0_i32_0 = arith.constant 0 : i32
    %c0_i32_1 = arith.constant 0 : i32
    return %c0_i32, %arg0, %c0_i32_0 : i32, i32, i32
  }
  func.func @transform_4(%arg0: i32) -> (i32, i32) {
    %c0_i32 = arith.constant 0 : i32
    %c0_i32_0 = arith.constant 0 : i32
    %c0_i32_1 = arith.constant 0 : i32
    return %c0_i32, %c0_i32_0 : i32, i32
  }
  func.func @transform_5(%arg0: i32) -> (i32, i32) {
    %c0_i32 = arith.constant 0 : i32
    %c0_i32_0 = arith.constant 0 : i32
    %c0_i32_1 = arith.constant 0 : i32
    return %c0_i32, %c0_i32_0 : i32, i32
  }
  func.func @transform_6(%arg0: i32) -> (i32, i32) {
    %c0_i32 = arith.constant 0 : i32
    %c0_i32_0 = arith.constant 0 : i32
    %c0_i32_1 = arith.constant 0 : i32
    return %c0_i32, %c0_i32_0 : i32, i32
  }
  func.func @transform_7(%arg0: i32) -> (i32, i32) {
    %c0_i32 = arith.constant 0 : i32
    %c0_i32_0 = arith.constant 0 : i32
    %c0_i32_1 = arith.constant 0 : i32
    return %c0_i32, %c0_i32_0 : i32, i32
  }
  func.func @transform_8(%arg0: i32) -> (i32, i32) {
    %c0_i32 = arith.constant 0 : i32
    %c0_i32_0 = arith.constant 0 : i32
    %c0_i32_1 = arith.constant 0 : i32
    return %c0_i32, %c0_i32_0 : i32, i32
  }
  func.func @transform_9(%arg0: i32) -> (i32, i32) {
    %c0_i32 = arith.constant 0 : i32
    %c0_i32_0 = arith.constant 0 : i32
    %c0_i32_1 = arith.constant 0 : i32
    return %c0_i32, %c0_i32_0 : i32, i32
  }
}

</mosaic_0001>

<sc_bundles>
// kernel: kernel.6.cloned.1.call-start
scs
__scs_entry_jumppad:
0x0: {  	(pc) =	sbr.rel $0x88, $3  }
0x1: {  	(tag) =	ssettag $0x0;
	lr =	simm.s32 $0x1  }
0x2: {  	[smem:$0x3F99] =	sst lr;
	_ =	strace $0xD0000000  }
0x3: {  	_ = 	snop  }
0x4: {  	_ = 	snop  }
0x5: {  	_ = 	snop  }
0x6: {  	_ = 	snop  }
0x7: {  	_ = 	snop  }
__scs_overlays_trampoline_lowered:
0x8: {  	[smem:$0x3FA8] =	sst s0  }
0x9: {  	[smem:$0x3FA9] =	sst s1  }
0xa: {  	[smem:$0x3FAA] =	sst s2  }
0xb: {  	[smem:$0x3FAB] =	sst s3  }
0xc: {  	[smem:$0x3FAC] =	sst s4  }
0xd: {  	[smem:$0x3FAD] =	sst s5  }
0xe: {  	[smem:$0x3FAE] =	sst s6  }
0xf: {  	[smem:$0x3FAF] =	sst s7  }
0x10: {  	[smem:$0x3FB0] =	sst s8  }
0x11: {  	[smem:$0x3FB1] =	sst s9;
	s0 =	simm.s32 @!p0 $0x0  }
0x12: {  	s1 =	sld [smem:$0x3F97];
	s0 =	simm.s32 @p0 $0x1  }
0x13: {  	[smem:$0x3FB2] =	sst s0;
	s0 =	simm.s32 @!p1 $0x0  }
0x14: {  	s2 =	sld [smem:$0x3F96];
	s0 =	simm.s32 @p1 $0x1  }
0x15: {  	[smem:$0x3FB3] =	sst s0;
	s0 =	simm.s32 @!p2 $0x0  }
0x16: {  	s3 =	sld [smem:$0x3FDB];
	s0 =	simm.s32 @p2 $0x1  }
0x17: {  	s4 =	simm.s32 $0x1BF5;
	[smem:$0x3FB5] =	sst s0  }
0x18: {  	s0 =	sld [smem:$0x3F98];
	_ =	swait.ge [sflag:s4], $0x0  }
0x19: {  	s7 =	sld [smem:$0x3F99]  }
0x1a: {  	s8 =	sadd.s32 $0xFFFFE003, lr  }
0x1b: {  	s9 =	sadd.s32 $0xFFFFFEF7, lr;
	s5 =	simm.s32 $0xFFFFFFFF;
	p2 =	slt.u32 s8, $0xFFFFF086  }
0x1c: {  	p1 =	slt.u32 s9, $0xF7A;
	s5 =	simm.s32 @!p2 $0x0  }
0x1d: {  	s5 =	simm.s32 @p1 $0x1;
	p0 =	seq.s32 s7, s2  }
0x1e: {  	s7 =	smul.u32 @!p0 $0xF7A, s2;
	p2 =	seq.s32 @!p0 s5, $0x0  }
0x1f: {  	s9 =	smul.u32 $0xF7A, s1;
	s8 =	simm.s32 @!p0 $0x1BF5;
	p2 =	por !p2, p0  }
0x20: {  	[sflag:s8] =	ssyncset.s32 @!p0 $0xFFFFF086;
	s6 =	sadd.s32 @!p0 s3, s7;
	s7 =	simm.s32 @!p0 $0x108  }
0x21: {  	s3 =	sadd.s32 s3, s9;
	s6 =	sadd.s32 @!p0 $0x88, s6;
	s7 =	simm.s32 @p2 $0x1082  }
0x22: {  	[simem:s7], [sflag:s8] =	dma.local @!p0 [hbm:s6], $0xF7A  }
0x23: {  	s9 =	sor.u32 $0xD0000000, s2;
	s6 =	simm.s32 $0x108;
	_ =	swait.ge @!p0 [sflag:s8], $0x0  }
0x24: {  	s3 =	sadd.s32 $0x88, s3;
	s6 =	simm.s32 @!p1 $0x1082;
	[sflag:s4] =	ssyncset.s32 $0xFFFFF086  }
0x25: {  	[simem:s6], [sflag:s4] =	dma.local [hbm:s3], $0xF7A  }
0x26: {  	[smem:$0x3F99] =	sst s1;
	(tag) =	ssettag s2;
	_ =	strace s9  }
0x27: {  	s1 =	sld [smem:$0x3FA9]  }
0x28: {  	s2 =	sld [smem:$0x3FAA]  }
0x29: {  	s4 =	sld [smem:$0x3FAC]  }
0x2a: {  	p0 =	seq.s32 s5, $0x0;
	s5 =	sld [smem:$0x3FAD]  }
0x2b: {  	s6 =	sld [smem:$0x3FAE]  }
0x2c: {  	s7 =	sld [smem:$0x3FAF]  }
0x2d: {  	s3 =	simm.s32 $0x108;
	s8 =	sld [smem:$0x3FB0]  }
0x2e: {  	s3 =	simm.s32 @!p0 $0x1082;
	s9 =	sld [smem:$0x3FB1]  }
0x2f: {  	lr =	sadd.s32 s0, s3;
	s0 =	sld [smem:$0x3FA8]  }
0x30: {  	s3 =	sld [smem:$0x3FAB]  }
0x31: {  	[smem:$0x3FB4] =	sst s10  }
0x32: {  	s10 =	sld [smem:$0x3FB2];
	_ =	sdelay $0x3  }
0x33: {  	p0 =	seq.s32 s10, $0x1;
	s10 =	sld [smem:$0x3FB4];
	_ =	sdelay $0x3  }
0x34: {  	[smem:$0x3FB4] =	sst s10  }
0x35: {  	s10 =	sld [smem:$0x3FB3];
	_ =	sdelay $0x3  }
0x36: {  	p1 =	seq.s32 s10, $0x1;
	s10 =	sld [smem:$0x3FB4];
	_ =	sdelay $0x3  }
0x37: {  	[smem:$0x3FB4] =	sst s10  }
0x38: {  	s10 =	sld [smem:$0x3FB5]  }
0x39: {  	_ = 	snop;
	(pc) =	sbr.ind lr, $3  }
0x3a: {  	_ = 	snop  }
0x3b: {  	_ = 	snop  }
0x3c: {  	p2 =	seq.s32 s10, $0x1;
	s10 =	sld [smem:$0x3FB4]  }
0x3d: {  	_ =	shalt  }
0x3e: {  	_ =	shalt  }
0x3f: {  	_ =	shalt  }
0x40: {  	_ =	shalt  }
0x41: {  	_ =	shalt  }
0x42: {  	_ =	shalt  }
0x43: {  	_ =	shalt  }
0x44: {  	_ =	shalt  }
0x45: {  	_ =	shalt  }
0x46: {  	_ =	shalt  }
0x47: {  	_ =	shalt  }
0x48: {  	_ =	shalt  }
0x49: {  	_ =	shalt  }
0x4a: {  	_ =	shalt  }
0x4b: {  	_ =	shalt  }
0x4c: {  	_ =	shalt  }
0x4d: {  	_ =	shalt  }
0x4e: {  	_ =	shalt  }
0x4f: {  	_ =	shalt  }
0x50: {  	_ =	shalt  }
0x51: {  	_ =	shalt  }
0x52: {  	_ =	shalt  }
0x53: {  	_ =	shalt  }
0x54: {  	_ =	shalt  }
0x55: {  	_ =	shalt  }
0x56: {  	_ =	shalt  }
0x57: {  	_ =	shalt  }
0x58: {  	_ =	shalt  }
0x59: {  	_ =	shalt  }
0x5a: {  	_ =	shalt  }
0x5b: {  	_ =	shalt  }
0x5c: {  	_ =	shalt  }
0x5d: {  	_ =	shalt  }
0x5e: {  	_ =	shalt  }
0x5f: {  	_ =	shalt  }
0x60: {  	_ =	shalt  }
0x61: {  	_ =	shalt  }
0x62: {  	_ =	shalt  }
0x63: {  	_ =	shalt  }
0x64: {  	_ =	shalt  }
0x65: {  	_ =	shalt  }
0x66: {  	_ =	shalt  }
0x67: {  	_ =	shalt  }
0x68: {  	_ =	shalt  }
0x69: {  	_ =	shalt  }
0x6a: {  	_ =	shalt  }
0x6b: {  	_ =	shalt  }
0x6c: {  	_ =	shalt  }
0x6d: {  	_ =	shalt  }
0x6e: {  	_ =	shalt  }
0x6f: {  	_ =	shalt  }
0x70: {  	_ =	shalt  }
0x71: {  	_ =	shalt  }
0x72: {  	_ =	shalt  }
0x73: {  	_ =	shalt  }
0x74: {  	_ =	shalt  }
0x75: {  	_ =	shalt  }
0x76: {  	_ =	shalt  }
0x77: {  	_ =	shalt  }
0x78: {  	_ =	shalt  }
0x79: {  	_ =	shalt  }
0x7a: {  	_ =	shalt  }
0x7b: {  	_ =	shalt  }
0x7c: {  	_ =	shalt  }
0x7d: {  	_ =	shalt  }
0x7e: {  	_ =	shalt  }
0x7f: {  	_ =	shalt  }
0x80: {  	_ =	shalt  }
0x81: {  	_ =	shalt  }
0x82: {  	_ =	shalt  }
0x83: {  	_ =	shalt  }
0x84: {  	_ =	shalt  }
0x85: {  	_ =	shalt  }
0x86: {  	_ =	shalt  }
0x87: {  	_ =	shalt  }
.Lfunc_end0:
.L_simem_size_0:
called_computation_lowered:
.L_overlay_start_0:
0x88: {  	s2 =	sld [smem:$0x3FD9]  }
0x89: {  	s3 =	sld [smem:$0x3FFE];
	_ =	sdelay $0x1  }
0x8a: {  	s1 =	srdreg.scid  }
0x8b: {  	s0 =	sand.u32 $0x1, s1  }
0x8c: {  	s16 =	sshll.u32 s0, $0xA;
	s2 =	sadd.s32 s3, s2  }
0x8d: {  	s2 =	sadd.s32 s2, s16  }
0x8e: {  	[smem:$0x3FC0] =	sst s2  }
0x8f: {  	_ = 	snop  }
0x90: {  	(tm) =	ssettm $0x1  }
0x91: {  	s17 =	sld [smem:$0x3FFB];
	_ =	sdelay $0x3  }
0x92: {  	_ =	strace s17  }
0x93: {  	s2 =	sld [smem:$0x3FFC];
	_ =	sdelay $0x3  }
0x94: {  	_ =	strace s2  }
0x95: {  	s2 =	sld [smem:$0x3FFD];
	_ =	sdelay $0x3  }
0x96: {  	_ =	strace s2  }
0x97: {  	_ =	strace $0x8FFFFFFF  }
0x98: {  	s18 =	sld [smem:$0x3FDB];
	_ =	sdelay $0x1  }
0x99: {  	s19 =	simm.s32 $_scs_section_size  }
0x9a: {  	s4 =	simm.s32 $_size__tile_overlayer_lowered;
	s5 =	simm.s32 $_tile_overlayer_lowered  }
0x9b: {  	s22 =	simm.s32 $0x1BFF;
	s21 =	sshll.u32 s5, $0x1;
	s2 =	sadd.s32 s19, s18  }
0x9c: {  	s6 =	simm.s32 $0x0;
	s20 =	sshll.u32 s4, $0x1;
	s4 =	sadd.s32 s21, s2  }
0x9d: {  	[timem:s6], [sflag:s22] =	dma.local [hbm:s4], s20  }
0x9e: {  	_ =	swait.ge [sflag:s22], s20  }
0x9f: {  	s3 =	ssub.s32 $0x0, s20;
	[sflag:s22] =	ssyncset.done $0x0  }
0xa0: {  	[sflag:s22] =	ssyncadd.s32 s3;
	_ =	sdelay $0x1  }
0xa1: {  	s23 =	simm.s32 $0x1B8B  }
0xa2: {  	_ =	swait.ge [sflag:s23], $0x1  }
0xa3: {  	[sflag:s23] =	ssyncset.done $0x0  }
0xa4: {  	s25 =	simm.s32 $0x1B8E;
	s24 =	sld [smem:$0x3FFE];
	[sflag:s23] =	ssyncadd.s32 $0xFFFFFFFF  }
0xa5: {  	s26 =	simm.s32 $execute0_lowered;
	[smem:$0x3FD2] =	sst s25  }
0xa6: {  	s4 =	sshll.u32 s26, $0x1;
	_ =	strace $0x80000046;
	[dreg:$0x1] =	wrdreg $0xFFFFFFFF  }
0xa7: {  	s28 =	simm.s32 $_size_execute0_lowered;
	s2 =	sadd.s32 s2, s4;
	[dreg:$0x0] =	wrdreg $0x0  }
0xa8: {  	s4 =	sshll.u32 s28, $0x1;
	[dreg:$0x2] =	wrdreg s2  }
0xa9: {  	[dreg:$0x3] =	wrdreg s4  }
0xaa: {  	[dreg:$0x4] =	wrdreg $0xC0  }
0xab: {  	_ =	task [dreg:s6], $0x5FFFF  }
0xac: {  	[dreg:$0x1] =	wrdreg $0xFFFFFFFF  }
0xad: {  	[dreg:$0x0] =	wrdreg $0x60  }
0xae: {  	[dreg:$0x2] =	wrdreg s24  }
0xaf: {  	[dreg:$0x3] =	wrdreg $0x9  }
0xb0: {  	_ =	task.clear_ibuf [dreg:s6], $0x4FFFF;
	_ =	strace $0x90000046  }
0xb1: {  	s29 =	simm.s32 $0x9;
	_ =	strace $0x80000048  }
0xb2: {  	_ =	swait.ge [sflag:s29], $0x1  }
0xb3: {  	[sflag:s29] =	ssyncadd.s32 $0xFFFFFFFF  }
0xb4: {  	_ =	strace $0x90000048  }
0xb5: {  	_ =	sfence  }
0xb6: {  	s30 =	sld [smem:$0x0];
	_ =	sdelay $0x2  }
0xb7: {  	s31 =	sshll.u32 s1, $0xD;
	s1 =	sshrl.u32 s1, $0x2  }
0xb8: {  	s3 =	sand.u32 $0x4000, s31;
	s1 =	sadd.s32 s1, s30  }
0xb9: {  	s0 =	sor.u32 s3, s0;
	s1 =	sshll.u32 s1, $0x11  }
0xba: {  	s0 =	sor.u32 s1, s0  }
0xbb: {  	s0 =	sadd.s32 $0x8F2B, s0  }
0xbc: {  	[sflag:s0] =	ssyncadd.remote.s32 $0x1  }
0xbd: {  	_ =	sfence.sel $0xFFFF  }
0xbe: {  	[dreg:$0x0] =	wrdreg $0xFFFFFFFF;
	(pc) =	sbr.abs _section_cstart, $3  }
0xbf: {  	[dreg:$0x1] =	wrdreg $0xFFFFFFFF  }
0xc0: {  	_ =	task.clear_ibuf [dreg:s6], $0x2FFFF;
	_ =	strace $0x9FFFFFFF  }
0xc1: {  	(tm) =	ssettm $0x7FFFFFFF  }
tec
execute0_lowered:
.L_overlay_start_1:
0x0: {  	(tag) =	ssettag $0x1  }
0x1: {  	s0 =	srdreg.scid  }
0x2: {  	s4 =	rddreg [dreg:$0x0];
	s3 =	sand.u32 $0x1, s0  }
0x3: {  	s1 =	stileid.u32;
	s7 =	simm.s32 $0x2800;
	s2 =	sshll.u32 s3, $0x4  }
0x4: {  	s0 =	rddreg [dreg:$0x1];
	s3 =	ssub.s32 $0x2, s3;
	s5 =	sor.u32 s1, s2  }
0x5: {  	s2 =	simm.s32 $0x0;
	s6 =	sshrl.u32 s3, $0x1;
	s5 =	smul.u32 $0x500, s5  }
0x6: {  	s8 =	simm.s32 $0x0;
	[smem:$0x7FF] =	sst s2;
	s31 =	ssub.s32 s3, s6  }
0x7: {  	s6 =	simm.s32 $0x1;
	_ =	strace $0x80000047;
	s4 =	sadd.s32 s5, s4  }
0x8: {  	v0 =	vimm.f32 $0.0e+00;
	v1 =	vimm.f32 $1.000000000e+00;
	s5 =	smax.u32 s31, $0x1;
	s3 =	sadd.s32 $0x2400, s4;
	s4 =	sadd.s32 $0x16400, s4  }
.LBB2_1:
0x9: {  	[tilespmem:s2], [sflag:$0x1] =	stream.linear.gather [hbm4b:s3+s2], $0x2800, $0x38;
	[tilespmem:$0x5000] =	vst v63  }
0xa: {  	_ =	swait.ge [sflag:s6], $0x2800  }
0xb: {  	[sflag:s6] =	ssyncset.done $0x0  }
0xc: {  	s9 =	simm.s32 $0x0;
	[sflag:s6] =	ssyncadd.s32 $0xFFFFD800  }
.LBB2_2:
0xd: {  	p0 =	sne.s32 s9, $0x9FC0  }
.Ltmp0:
0xe: {  	_ = 	snop;
	(pc) =	sbr.rel @p0 .LBB2_2-.Ltmp0, $3  }
0xf: {  	_ =	sdelay $0x1  }
0x10: {  	s10 =	sshra.s32 s9, $0x2  }
0x11: {  	s9 =	sadd.s32 $0x40, s9;
	[tilespmem:s10+$0x2800] =	vst v0  }
0x12: {  	s10 =	simm.s32 $0x0;
	s9 =	simm.s32 $0x40  }
.LBB2_4:
0x13: {  	p0 =	sne.s32 s9, $0x9FC0;
	v2 =	vld [tilespmem:s10+$0x0];
	_ =	sdelay $0x3  }
.Ltmp1:
0x14: {  	(pc) =	sbr.rel @p0 .LBB2_4-.Ltmp1, $2  }
0x15: {  	_ =	sdelay $0x2  }
0x16: {  	s10 =	sshra.s32 s9, $0x2;
	s9 =	sadd.s32 $0x40, s9;
	[tilespmem:v2+s7+$0x0] =	vst.idx.add.f32.msk $0xffff, v1  }
0x17: {  	v2 =	vld [tilespmem:s10+$0x0];
	_ =	sdelay $0x5  }
0x18: {  	s8 =	sadd.s32 $0x1, s8  }
0x19: {  	p0 =	sne.s32 s8, s5  }
.Ltmp2:
0x1a: {  	[tilespmem:v2+s7+$0x0] =	vst.idx.add.f32.msk $0xffff, v1;
	(pc) =	sbr.rel @p0 .LBB2_1-.Ltmp2, $4  }
0x1b: {  	[hbm4b:s4+s2] =	stream.linear.scatter [tilespmem:s7], [sflag:$0x1], $0x2800, $0x38;
	[tilespmem:$0x5000] =	vst v63  }
0x1c: {  	_ =	swait.ge [sflag:s6], $0x2800  }
0x1d: {  	[sflag:s6] =	ssyncset.done $0x0  }
0x1e: {  	[sflag:s6] =	ssyncadd.s32 $0xFFFFD800  }
0x1f: {  	_ =	sfence.sel $0x180000  }
0x20: {  	[bflag:$0x0] =	sbarrier.arrive $0xFFFF  }
0x21: {  	p0 =	sne.s32 s1, $0x0;
	_ =	strace $0x90000047  }
0x22: {  	s0 =	sadd.s32 @!p0 $0x100000, s0;
	[bflag:$0x2] =	sbarrier.arrive $0xFFFF  }
0x23: {  	[sflag:s0] =	ssyncadd.tile.s32 @!p0 $0x1;
	_ =	shalt  }
.Lfunc_end2:
_tile_overlayer_lowered:
.L_overlay_start_2:
0x24: {  	(tag) =	ssettag $0x2  }
0x25: {  	s0 =	rddreg [dreg:$0x0];
	s2 =	stileid.u32  }
0x26: {  	s1 =	rddreg [dreg:$0x1];
	p0 =	sne.s32 s2, $0x0  }
0x27: {  	s3 =	rddreg [dreg:$0x2];
	[bflag:$0x3] =	sbarrier.arrive $0xFFFF;
	s2 =	simm.s32 @!p0 $0x1C01  }
0x28: {  	[timem:s3], [sflag:s2] =	dma.local @!p0 [hbm:s0], s1  }
0x29: {  	s0 =	simm.s32 @!p0 $0x1  }
0x2a: {  	_ =	swait.ge @!p0 [sflag:s0], s1  }
0x2b: {  	s1 =	ssub.s32 @!p0 $0x0, s1;
	[sflag:s0] =	ssyncset.done @!p0 $0x0  }
0x2c: {  	[sflag:s0] =	ssyncadd.s32 @!p0 s1  }
0x2d: {  	[bflag:$0x3] =	sbarrier.arrive $0xFFFF  }
0x2e: {  	_ =	shalt  }

// kernel: kernel.9.cloned.1.call-start
scs
__scs_entry_jumppad:
0x0: {  	(pc) =	sbr.rel $0x88, $3  }
0x1: {  	(tag) =	ssettag $0x0;
	lr =	simm.s32 $0x1  }
0x2: {  	[smem:$0x3F99] =	sst lr;
	_ =	strace $0xD0000000  }
0x3: {  	_ = 	snop  }
0x4: {  	_ = 	snop  }
0x5: {  	_ = 	snop  }
0x6: {  	_ = 	snop  }
0x7: {  	_ = 	snop  }
__scs_overlays_trampoline_lowered:
0x8: {  	[smem:$0x3FA8] =	sst s0  }
0x9: {  	[smem:$0x3FA9] =	sst s1  }
0xa: {  	[smem:$0x3FAA] =	sst s2  }
0xb: {  	[smem:$0x3FAB] =	sst s3  }
0xc: {  	[smem:$0x3FAC] =	sst s4  }
0xd: {  	[smem:$0x3FAD] =	sst s5  }
0xe: {  	[smem:$0x3FAE] =	sst s6  }
0xf: {  	[smem:$0x3FAF] =	sst s7  }
0x10: {  	[smem:$0x3FB0] =	sst s8  }
0x11: {  	[smem:$0x3FB1] =	sst s9;
	s0 =	simm.s32 @!p0 $0x0  }
0x12: {  	s1 =	sld [smem:$0x3F97];
	s0 =	simm.s32 @p0 $0x1  }
0x13: {  	[smem:$0x3FB2] =	sst s0;
	s0 =	simm.s32 @!p1 $0x0  }
0x14: {  	s2 =	sld [smem:$0x3F96];
	s0 =	simm.s32 @p1 $0x1  }
0x15: {  	[smem:$0x3FB3] =	sst s0;
	s0 =	simm.s32 @!p2 $0x0  }
0x16: {  	s3 =	sld [smem:$0x3FDB];
	s0 =	simm.s32 @p2 $0x1  }
0x17: {  	s4 =	simm.s32 $0x1BF5;
	[smem:$0x3FB5] =	sst s0  }
0x18: {  	s0 =	sld [smem:$0x3F98];
	_ =	swait.ge [sflag:s4], $0x0  }
0x19: {  	s7 =	sld [smem:$0x3F99]  }
0x1a: {  	s8 =	sadd.s32 $0xFFFFE003, lr  }
0x1b: {  	s9 =	sadd.s32 $0xFFFFFEF7, lr;
	s5 =	simm.s32 $0xFFFFFFFF;
	p2 =	slt.u32 s8, $0xFFFFF086  }
0x1c: {  	p1 =	slt.u32 s9, $0xF7A;
	s5 =	simm.s32 @!p2 $0x0  }
0x1d: {  	s5 =	simm.s32 @p1 $0x1;
	p0 =	seq.s32 s7, s2  }
0x1e: {  	s7 =	smul.u32 @!p0 $0xF7A, s2;
	p2 =	seq.s32 @!p0 s5, $0x0  }
0x1f: {  	s9 =	smul.u32 $0xF7A, s1;
	s8 =	simm.s32 @!p0 $0x1BF5;
	p2 =	por !p2, p0  }
0x20: {  	[sflag:s8] =	ssyncset.s32 @!p0 $0xFFFFF086;
	s6 =	sadd.s32 @!p0 s3, s7;
	s7 =	simm.s32 @!p0 $0x108  }
0x21: {  	s3 =	sadd.s32 s3, s9;
	s6 =	sadd.s32 @!p0 $0x88, s6;
	s7 =	simm.s32 @p2 $0x1082  }
0x22: {  	[simem:s7], [sflag:s8] =	dma.local @!p0 [hbm:s6], $0xF7A  }
0x23: {  	s9 =	sor.u32 $0xD0000000, s2;
	s6 =	simm.s32 $0x108;
	_ =	swait.ge @!p0 [sflag:s8], $0x0  }
0x24: {  	s3 =	sadd.s32 $0x88, s3;
	s6 =	simm.s32 @!p1 $0x1082;
	[sflag:s4] =	ssyncset.s32 $0xFFFFF086  }
0x25: {  	[simem:s6], [sflag:s4] =	dma.local [hbm:s3], $0xF7A  }
0x26: {  	[smem:$0x3F99] =	sst s1;
	(tag) =	ssettag s2;
	_ =	strace s9  }
0x27: {  	s1 =	sld [smem:$0x3FA9]  }
0x28: {  	s2 =	sld [smem:$0x3FAA]  }
0x29: {  	s4 =	sld [smem:$0x3FAC]  }
0x2a: {  	p0 =	seq.s32 s5, $0x0;
	s5 =	sld [smem:$0x3FAD]  }
0x2b: {  	s6 =	sld [smem:$0x3FAE]  }
0x2c: {  	s7 =	sld [smem:$0x3FAF]  }
0x2d: {  	s3 =	simm.s32 $0x108;
	s8 =	sld [smem:$0x3FB0]  }
0x2e: {  	s3 =	simm.s32 @!p0 $0x1082;
	s9 =	sld [smem:$0x3FB1]  }
0x2f: {  	lr =	sadd.s32 s0, s3;
	s0 =	sld [smem:$0x3FA8]  }
0x30: {  	s3 =	sld [smem:$0x3FAB]  }
0x31: {  	[smem:$0x3FB4] =	sst s10  }
0x32: {  	s10 =	sld [smem:$0x3FB2];
	_ =	sdelay $0x3  }
0x33: {  	p0 =	seq.s32 s10, $0x1;
	s10 =	sld [smem:$0x3FB4];
	_ =	sdelay $0x3  }
0x34: {  	[smem:$0x3FB4] =	sst s10  }
0x35: {  	s10 =	sld [smem:$0x3FB3];
	_ =	sdelay $0x3  }
0x36: {  	p1 =	seq.s32 s10, $0x1;
	s10 =	sld [smem:$0x3FB4];
	_ =	sdelay $0x3  }
0x37: {  	[smem:$0x3FB4] =	sst s10  }
0x38: {  	s10 =	sld [smem:$0x3FB5]  }
0x39: {  	_ = 	snop;
	(pc) =	sbr.ind lr, $3  }
0x3a: {  	_ = 	snop  }
0x3b: {  	_ = 	snop  }
0x3c: {  	p2 =	seq.s32 s10, $0x1;
	s10 =	sld [smem:$0x3FB4]  }
0x3d: {  	_ =	shalt  }
0x3e: {  	_ =	shalt  }
0x3f: {  	_ =	shalt  }
0x40: {  	_ =	shalt  }
0x41: {  	_ =	shalt  }
0x42: {  	_ =	shalt  }
0x43: {  	_ =	shalt  }
0x44: {  	_ =	shalt  }
0x45: {  	_ =	shalt  }
0x46: {  	_ =	shalt  }
0x47: {  	_ =	shalt  }
0x48: {  	_ =	shalt  }
0x49: {  	_ =	shalt  }
0x4a: {  	_ =	shalt  }
0x4b: {  	_ =	shalt  }
0x4c: {  	_ =	shalt  }
0x4d: {  	_ =	shalt  }
0x4e: {  	_ =	shalt  }
0x4f: {  	_ =	shalt  }
0x50: {  	_ =	shalt  }
0x51: {  	_ =	shalt  }
0x52: {  	_ =	shalt  }
0x53: {  	_ =	shalt  }
0x54: {  	_ =	shalt  }
0x55: {  	_ =	shalt  }
0x56: {  	_ =	shalt  }
0x57: {  	_ =	shalt  }
0x58: {  	_ =	shalt  }
0x59: {  	_ =	shalt  }
0x5a: {  	_ =	shalt  }
0x5b: {  	_ =	shalt  }
0x5c: {  	_ =	shalt  }
0x5d: {  	_ =	shalt  }
0x5e: {  	_ =	shalt  }
0x5f: {  	_ =	shalt  }
0x60: {  	_ =	shalt  }
0x61: {  	_ =	shalt  }
0x62: {  	_ =	shalt  }
0x63: {  	_ =	shalt  }
0x64: {  	_ =	shalt  }
0x65: {  	_ =	shalt  }
0x66: {  	_ =	shalt  }
0x67: {  	_ =	shalt  }
0x68: {  	_ =	shalt  }
0x69: {  	_ =	shalt  }
0x6a: {  	_ =	shalt  }
0x6b: {  	_ =	shalt  }
0x6c: {  	_ =	shalt  }
0x6d: {  	_ =	shalt  }
0x6e: {  	_ =	shalt  }
0x6f: {  	_ =	shalt  }
0x70: {  	_ =	shalt  }
0x71: {  	_ =	shalt  }
0x72: {  	_ =	shalt  }
0x73: {  	_ =	shalt  }
0x74: {  	_ =	shalt  }
0x75: {  	_ =	shalt  }
0x76: {  	_ =	shalt  }
0x77: {  	_ =	shalt  }
0x78: {  	_ =	shalt  }
0x79: {  	_ =	shalt  }
0x7a: {  	_ =	shalt  }
0x7b: {  	_ =	shalt  }
0x7c: {  	_ =	shalt  }
0x7d: {  	_ =	shalt  }
0x7e: {  	_ =	shalt  }
0x7f: {  	_ =	shalt  }
0x80: {  	_ =	shalt  }
0x81: {  	_ =	shalt  }
0x82: {  	_ =	shalt  }
0x83: {  	_ =	shalt  }
0x84: {  	_ =	shalt  }
0x85: {  	_ =	shalt  }
0x86: {  	_ =	shalt  }
0x87: {  	_ =	shalt  }
.Lfunc_end0:
.L_simem_size_0:
called_computation.1_lowered:
.L_overlay_start_0:
0x88: {  	s2 =	sld [smem:$0x3FD9]  }
0x89: {  	s3 =	sld [smem:$0x3FFE];
	_ =	sdelay $0x1  }
0x8a: {  	s1 =	srdreg.scid  }
0x8b: {  	s0 =	sand.u32 $0x1, s1  }
0x8c: {  	s16 =	sshll.u32 s0, $0xA;
	s2 =	sadd.s32 s3, s2  }
0x8d: {  	s2 =	sadd.s32 s2, s16  }
0x8e: {  	[smem:$0x3FC0] =	sst s2  }
0x8f: {  	_ = 	snop  }
0x90: {  	(tm) =	ssettm $0x1  }
0x91: {  	s17 =	sld [smem:$0x3FFB];
	_ =	sdelay $0x3  }
0x92: {  	_ =	strace s17  }
0x93: {  	s2 =	sld [smem:$0x3FFC];
	_ =	sdelay $0x3  }
0x94: {  	_ =	strace s2  }
0x95: {  	s2 =	sld [smem:$0x3FFD];
	_ =	sdelay $0x3  }
0x96: {  	_ =	strace s2  }
0x97: {  	_ =	strace $0x8FFFFFFF  }
0x98: {  	s18 =	sld [smem:$0x3FDB];
	_ =	sdelay $0x1  }
0x99: {  	s19 =	simm.s32 $_scs_section_size  }
0x9a: {  	s4 =	simm.s32 $_size__tile_overlayer_lowered;
	s5 =	simm.s32 $_tile_overlayer_lowered  }
0x9b: {  	s22 =	simm.s32 $0x1BFF;
	s21 =	sshll.u32 s5, $0x1;
	s2 =	sadd.s32 s19, s18  }
0x9c: {  	s6 =	simm.s32 $0x0;
	s20 =	sshll.u32 s4, $0x1;
	s4 =	sadd.s32 s21, s2  }
0x9d: {  	[timem:s6], [sflag:s22] =	dma.local [hbm:s4], s20  }
0x9e: {  	_ =	swait.ge [sflag:s22], s20  }
0x9f: {  	s3 =	ssub.s32 $0x0, s20;
	[sflag:s22] =	ssyncset.done $0x0  }
0xa0: {  	[sflag:s22] =	ssyncadd.s32 s3;
	_ =	sdelay $0x1  }
0xa1: {  	s23 =	simm.s32 $0x1B8B  }
0xa2: {  	_ =	swait.ge [sflag:s23], $0x1  }
0xa3: {  	[sflag:s23] =	ssyncset.done $0x0  }
0xa4: {  	s25 =	simm.s32 $0x1B8E;
	s24 =	sld [smem:$0x3FFE];
	[sflag:s23] =	ssyncadd.s32 $0xFFFFFFFF  }
0xa5: {  	s26 =	simm.s32 $execute0_lowered;
	[smem:$0x3FD2] =	sst s25  }
0xa6: {  	s4 =	sshll.u32 s26, $0x1;
	_ =	strace $0x80000049;
	[dreg:$0x1] =	wrdreg $0xFFFFFFFF  }
0xa7: {  	s28 =	simm.s32 $_size_execute0_lowered;
	s2 =	sadd.s32 s2, s4;
	[dreg:$0x0] =	wrdreg $0x0  }
0xa8: {  	s4 =	sshll.u32 s28, $0x1;
	[dreg:$0x2] =	wrdreg s2  }
0xa9: {  	[dreg:$0x3] =	wrdreg s4  }
0xaa: {  	[dreg:$0x4] =	wrdreg $0xC0  }
0xab: {  	_ =	task [dreg:s6], $0x5FFFF  }
0xac: {  	[dreg:$0x1] =	wrdreg $0xFFFFFFFF  }
0xad: {  	[dreg:$0x0] =	wrdreg $0x60  }
0xae: {  	[dreg:$0x2] =	wrdreg s24  }
0xaf: {  	[dreg:$0x3] =	wrdreg $0x120000  }
0xb0: {  	[dreg:$0x4] =	wrdreg $0x9  }
0xb1: {  	_ =	task.clear_ibuf [dreg:s6], $0x5FFFF;
	_ =	strace $0x90000049  }
0xb2: {  	s29 =	simm.s32 $0x9;
	_ =	strace $0x8000004B  }
0xb3: {  	_ =	swait.ge [sflag:s29], $0x1  }
0xb4: {  	[sflag:s29] =	ssyncadd.s32 $0xFFFFFFFF  }
0xb5: {  	_ =	strace $0x9000004B  }
0xb6: {  	_ =	sfence  }
0xb7: {  	s30 =	sld [smem:$0x0];
	_ =	sdelay $0x2  }
0xb8: {  	s31 =	sshll.u32 s1, $0xD;
	s1 =	sshrl.u32 s1, $0x2  }
0xb9: {  	s3 =	sand.u32 $0x4000, s31;
	s1 =	sadd.s32 s1, s30  }
0xba: {  	s0 =	sor.u32 s3, s0;
	s1 =	sshll.u32 s1, $0x11  }
0xbb: {  	s0 =	sor.u32 s1, s0  }
0xbc: {  	s0 =	sadd.s32 $0x8F2B, s0  }
0xbd: {  	[sflag:s0] =	ssyncadd.remote.s32 $0x1  }
0xbe: {  	_ =	sfence.sel $0xFFFF  }
0xbf: {  	[dreg:$0x0] =	wrdreg $0xFFFFFFFF;
	(pc) =	sbr.abs _section_cstart, $3  }
0xc0: {  	[dreg:$0x1] =	wrdreg $0xFFFFFFFF  }
0xc1: {  	_ =	task.clear_ibuf [dreg:s6], $0x2FFFF;
	_ =	strace $0x9FFFFFFF  }
0xc2: {  	(tm) =	ssettm $0x7FFFFFFF  }
0xc3: {  	_ =	shalt  }
tec
execute0_lowered:
.L_overlay_start_1:
0x0: {  	(tag) =	ssettag $0x1  }
0x1: {  	s0 =	srdreg.scid;
	s1 =	rddreg [dreg:$0x0]  }
0x2: {  	s6 =	stileid.u32;
	s2 =	rddreg [dreg:$0x1]  }
0x3: {  	s4 =	simm.s32 $0x0;
	s16 =	simm.s32 $0x5000;
	s17 =	simm.s32 $0x9  }
0x4: {  	s18 =	simm.s32 $0xA000;
	s20 =	simm.s32 $0x80;
	s21 =	simm.s32 $0xC000  }
0x5: {  	s28 =	simm.s32 $0x7800;
	s29 =	simm.s32 $0x1;
	s30 =	simm.s32 $0x2  }
0x6: {  	s31 =	simm.s32 $0x3;
	s19 =	simm.s32 $0x6;
	s0 =	sand.u32 $0x1, s0  }
0x7: {  	[smem:$0x7FF] =	sst s4;
	s7 =	smul.u32 $0x14000, s6;
	s5 =	sadd.s32 $0x16400, s1  }
0x8: {  	s3 =	sshll.u32 s0, $0x4;
	s22 =	smul.u32 $0x140000, s0;
	_ =	strace $0x8000004A  }
0x9: {  	[dreg:$0x3] =	wrdreg s5;
	s5 =	sadd.s32 $0x16A00, s1;
	s0 =	ssub.s32 $0x2, s0  }
0xa: {  	s3 =	sor.u32 s6, s3;
	s6 =	smul.u32 $0x28000, s6;
	s8 =	sshrl.u32 s0, $0x1  }
0xb: {  	s25 =	sshrl.u32 s7, $0x1;
	s3 =	smul.u32 $0x500, s3;
	s4 =	sadd.s32 s7, s22  }
0xc: {  	s0 =	ssub.s32 s0, s8;
	s7 =	simm.s32 $0x0;
	s26 =	sadd.s32 s25, s2  }
0xd: {  	s22 =	simm.s32 $0x7;
	s4 =	sshrl.u32 s4, $0x4;
	s6 =	sshrl.u32 s6, $0x2  }
0xe: {  	s11 =	smax.u32 s0, $0x1;
	s25 =	sshrl.u32 s26, $0x3;
	s26 =	simm.s32 $0x10000  }
0xf: {  	s0 =	simm.s32 $0x5;
	s3 =	sadd.s32 s3, s1;
	s1 =	sadd.s32 s4, s1  }
0x10: {  	s6 =	sadd.s32 s6, s2;
	s23 =	sadd.s32 $0xC400, s3;
	s24 =	sadd.s32 $0x2400, s3  }
0x11: {  	s9 =	sadd.s32 $0x52A00, s3;
	s10 =	sadd.s32 $0x2AA00, s1;
	s12 =	sadd.s32 $0x2000, s6  }
0x12: {  	s13 =	sadd.s32 $0x4000, s6;
	s14 =	sadd.s32 $0x6000, s6;
	s15 =	sadd.s32 $0x8000, s6  }
0x13: {  	s1 =	simm.s32 $0x4;
	s3 =	simm.s32 $0x0;
	[dreg:$0x4] =	wrdreg s23  }
0x14: {  	v0 =	vimm.f32 $0.0e+00;
	v1 =	vimm.bf16 $0.0e+00;
	[dreg:$0x5] =	wrdreg s24;
	s23 =	simm.s32 $0xE000;
	s24 =	simm.s32 $0x8  }
.LBB2_1:
0x15: {  	s4 =	rddreg [dreg:$0x3]  }
0x16: {  	[tilespmem:s16], [sflag:$0x9] =	stream.linear.gather [hbm4b:s4+s7], $0x2800, $0x38;
	[tilespmem:$0x1C000] =	vst v63  }
0x17: {  	_ =	swait.ge [sflag:s17], $0x2800  }
0x18: {  	[sflag:s17] =	ssyncset.done $0x0  }
0x19: {  	s4 =	simm.s32 $0x0;
	[sflag:s17] =	ssyncadd.s32 $0xFFFFD800  }
.LBB2_2:
0x1a: {  	p0 =	sne.s32 s4, $0x9FC0  }
.Ltmp0:
0x1b: {  	_ = 	snop;
	(pc) =	sbr.rel @p0 .LBB2_2-.Ltmp0, $3  }
0x1c: {  	_ =	sdelay $0x1  }
0x1d: {  	s7 =	sshra.s32 s4, $0x2  }
0x1e: {  	s4 =	sadd.s32 $0x40, s4;
	[tilespmem:s7+$0x7800] =	vst v0  }
0x1f: {  	s7 =	simm.s32 $0x100;
	s4 =	simm.s32 $0x0  }
.LBB2_4:
0x20: {  	p0 =	sne.s32 s7, $0x7F00;
	[tilespmem:s4+$0xA030] =	vst v1;
	s8 =	smov.u32 s7;
	s7 =	sadd.s32 $0x100, s7  }
.Ltmp1:
0x21: {  	[tilespmem:s4+$0xA020] =	vst v1;
	(pc) =	sbr.rel @p0 .LBB2_4-.Ltmp1, $3  }
0x22: {  	[tilespmem:s4+$0xA000] =	vst v1  }
0x23: {  	[tilespmem:s4+$0xA010] =	vst v1;
	_ =	sdelay $0x1  }
0x24: {  	s4 =	sshra.s32 s8, $0x2  }
0x25: {  	[tilespmem:s4+$0xA030] =	vst v1  }
0x26: {  	[tilespmem:s4+$0xA020] =	vst v1  }
0x27: {  	[tilespmem:s4+$0xA000] =	vst v1  }
0x28: {  	[tilespmem:s4+$0xA010] =	vst v1  }
0x29: {  	[spmem:s6] =	stream.linear.scatter [tilespmem:s18], [sflag:$0x9], $0x2000, $0x38;
	[tilespmem:$0x1C000] =	vst v63  }
0x2a: {  	_ =	swait.ge [sflag:s17], $0x2000  }
0x2b: {  	[sflag:s17] =	ssyncset.done $0x0  }
0x2c: {  	[sflag:s17] =	ssyncadd.s32 $0xFFFFE000  }
0x2d: {  	[spmem:s12] =	stream.linear.scatter [tilespmem:s18], [sflag:$0x9], $0x2000, $0x38;
	[tilespmem:$0x1C000] =	vst v63  }
0x2e: {  	_ =	swait.ge [sflag:s17], $0x2000  }
0x2f: {  	[sflag:s17] =	ssyncset.done $0x0  }
0x30: {  	[sflag:s17] =	ssyncadd.s32 $0xFFFFE000  }
0x31: {  	[spmem:s13] =	stream.linear.scatter [tilespmem:s18], [sflag:$0x9], $0x2000, $0x38;
	[tilespmem:$0x1C000] =	vst v63  }
0x32: {  	_ =	swait.ge [sflag:s17], $0x2000  }
0x33: {  	[sflag:s17] =	ssyncset.done $0x0  }
0x34: {  	[sflag:s17] =	ssyncadd.s32 $0xFFFFE000  }
0x35: {  	[spmem:s14] =	stream.linear.scatter [tilespmem:s18], [sflag:$0x9], $0x2000, $0x38;
	[tilespmem:$0x1C000] =	vst v63  }
0x36: {  	_ =	swait.ge [sflag:s17], $0x2000  }
0x37: {  	[sflag:s17] =	ssyncset.done $0x0  }
0x38: {  	[sflag:s17] =	ssyncadd.s32 $0xFFFFE000  }
0x39: {  	[spmem:s15] =	stream.linear.scatter [tilespmem:s18], [sflag:$0x9], $0x2000, $0x38;
	[tilespmem:$0x1C000] =	vst v63  }
0x3a: {  	_ =	swait.ge [sflag:s17], $0x2000  }
0x3b: {  	[sflag:s17] =	ssyncset.done $0x0  }
0x3c: {  	[sflag:s17] =	ssyncadd.s32 $0xFFFFE000  }
0x3d: {  	[bflag:$0x0] =	sbarrier.arrive $0xFFFF  }
0x3e: {  	s4 =	simm.s32 $0x0;
	s7 =	rddreg [dreg:$0x4]  }
0x3f: {  	[tilespmem:s4], [sflag:$0x9] =	stream.linear.gather [hbm4b:s7+s4], $0x2800, $0x38;
	[tilespmem:$0x1C000] =	vst v63  }
0x40: {  	_ =	swait.ge [sflag:s17], $0x2800  }
0x41: {  	[sflag:s17] =	ssyncset.done $0x0  }
0x42: {  	s8 =	simm.s32 $0x2800;
	s7 =	rddreg [dreg:$0x5];
	[sflag:s17] =	ssyncadd.s32 $0xFFFFD800  }
0x43: {  	[tilespmem:s8], [sflag:$0x9] =	stream.linear.gather [hbm4b:s7+s4], $0x2800, $0x38;
	[tilespmem:$0x1C000] =	vst v63  }
0x44: {  	_ =	swait.ge [sflag:s17], $0x2800  }
0x45: {  	[sflag:s17] =	ssyncset.done $0x0  }
0x46: {  	[sflag:s17] =	ssyncadd.s32 $0xFFFFD800  }
0x47: {  	[tilespmem:s18], [sflag:$0x1] =	stream.indirect.gather [hbm4b:s5+s20], $0x40, s4, s20, $0xb8;
	[tilespmem:$0x1C000] =	vst v63  }
0x48: {  	_ = 	snop  }
0x49: {  	[tilespmem:s21], [sflag:$0x2] =	stream.indirect.gather [hbm4b:s5+s20], $0x40, s20, s20, $0xb8;
	[tilespmem:$0x1C000] =	vst v63  }
0x4a: {  	s7 =	simm.s32 $0x100  }
0x4b: {  	[tilespmem:s23], [sflag:$0x3] =	stream.indirect.gather [hbm4b:s5+s20], $0x40, s7, s20, $0xb8;
	[tilespmem:$0x1C000] =	vst v63  }
0x4c: {  	s8 =	simm.s32 $0x180;
	s4 =	simm.s32 $0x40;
	s7 =	simm.s32 $0x0  }
0x4d: {  	[tilespmem:s26], [sflag:$0x4] =	stream.indirect.gather [hbm4b:s5+s20], $0x40, s8, s20, $0xb8;
	[tilespmem:$0x1C000] =	vst v63  }
.LBB2_6:
0x4e: {  	p0 =	sne.s32 s4, $0x9FC0;
	v2 =	vld [tilespmem:s7+$0x2800];
	_ =	sdelay $0x5  }
0x4f: {  	v3 =	vld [tilespmem:s7+$0x0];
	_ =	sdelay $0x1  }
0x50: {  	v2 =	vld.idx.msk [tilespmem:v2+s16+$0x0], $0xffff;
	_ =	sdelay $0x1  }
.Ltmp2:
0x51: {  	(pc) =	sbr.rel @p0 .LBB2_6-.Ltmp2, $2  }
0x52: {  	_ =	sdelay $0x2  }
0x53: {  	s7 =	sshra.s32 s4, $0x2;
	s4 =	sadd.s32 $0x40, s4;
	[tilespmem:v3+s28+$0x0] =	vst.idx.add.f32.msk $0xffff, v2  }
0x54: {  	v2 =	vld [tilespmem:s7+$0x2800];
	_ =	sdelay $0x4  }
0x55: {  	v3 =	vld [tilespmem:s7+$0x0];
	_ =	sdelay $0x2  }
0x56: {  	v2 =	vld.idx.msk [tilespmem:v2+s16+$0x0], $0xffff;
	_ =	sdelay $0x4  }
0x57: {  	[tilespmem:v3+s28+$0x0] =	vst.idx.add.f32.msk $0xffff, v2  }
0x58: {  	_ =	swait.ge [sflag:s29], $0x2000  }
0x59: {  	[sflag:s29] =	ssyncset.done $0x0  }
0x5a: {  	s4 =	simm.s32 $0x2800;
	[sflag:s29] =	ssyncadd.s32 $0xFFFFE000  }
0x5b: {  	[spmem:s2] =	stream.indirect.scatter.add.bf16 [tilespmem:s18], [sflag:$0x5], $0x40, s4, s20, $0xb8;
	[tilespmem:$0x1C000] =	vst v63  }
0x5c: {  	_ =	swait.ge [sflag:s30], $0x2000  }
0x5d: {  	[sflag:s30] =	ssyncset.done $0x0  }
0x5e: {  	s7 =	simm.s32 $0x2880;
	[sflag:s30] =	ssyncadd.s32 $0xFFFFE000  }
0x5f: {  	[spmem:s2] =	stream.indirect.scatter.add.bf16 [tilespmem:s21], [sflag:$0x6], $0x40, s7, s20, $0xb8;
	[tilespmem:$0x1C000] =	vst v63  }
0x60: {  	_ =	swait.ge [sflag:s31], $0x2000  }
0x61: {  	[sflag:s31] =	ssyncset.done $0x0  }
0x62: {  	s8 =	simm.s32 $0x2900;
	[sflag:s31] =	ssyncadd.s32 $0xFFFFE000  }
0x63: {  	[spmem:s2] =	stream.indirect.scatter.add.bf16 [tilespmem:s23], [sflag:$0x7], $0x40, s8, s20, $0xb8;
	[tilespmem:$0x1C000] =	vst v63  }
0x64: {  	_ =	swait.ge [sflag:s1], $0x2000  }
0x65: {  	[sflag:s1] =	ssyncset.done $0x0  }
0x66: {  	s7 =	simm.s32 $0x2980;
	[sflag:s1] =	ssyncadd.s32 $0xFFFFE000  }
0x67: {  	[spmem:s2] =	stream.indirect.scatter.add.bf16 [tilespmem:s26], [sflag:$0x8], $0x40, s7, s20, $0xb8;
	[tilespmem:$0x1C000] =	vst v63  }
0x68: {  	_ =	swait.ge [sflag:s0], $0x2000  }
0x69: {  	[sflag:s0] =	ssyncset.done $0x0  }
0x6a: {  	s8 =	simm.s32 $0x200;
	[sflag:s0] =	ssyncadd.s32 $0xFFFFE000  }
0x6b: {  	[tilespmem:s18], [sflag:$0x1] =	stream.indirect.gather [hbm4b:s5+s20], $0x40, s8, s20, $0xb8;
	[tilespmem:$0x1C000] =	vst v63  }
0x6c: {  	_ =	swait.ge [sflag:s19], $0x2000  }
0x6d: {  	[sflag:s19] =	ssyncset.done $0x0  }
0x6e: {  	s7 =	simm.s32 $0x280;
	[sflag:s19] =	ssyncadd.s32 $0xFFFFE000  }
0x6f: {  	[tilespmem:s21], [sflag:$0x2] =	stream.indirect.gather [hbm4b:s5+s20], $0x40, s7, s20, $0xb8;
	[tilespmem:$0x1C000] =	vst v63  }
0x70: {  	_ =	swait.ge [sflag:s22], $0x2000  }
0x71: {  	[sflag:s22] =	ssyncset.done $0x0  }
0x72: {  	s8 =	simm.s32 $0x300;
	[sflag:s22] =	ssyncadd.s32 $0xFFFFE000  }
0x73: {  	[tilespmem:s23], [sflag:$0x3] =	stream.indirect.gather [hbm4b:s5+s20], $0x40, s8, s20, $0xb8;
	[tilespmem:$0x1C000] =	vst v63  }
0x74: {  	_ =	swait.ge [sflag:s24], $0x2000  }
0x75: {  	[sflag:s24] =	ssyncset.done $0x0  }
0x76: {  	s4 =	simm.s32 $0x800;
	s7 =	simm.s32 $0x380;
	[sflag:s24] =	ssyncadd.s32 $0xFFFFE000  }
.LBB2_8:
0x77: {  	[tilespmem:s26], [sflag:$0x4] =	stream.indirect.gather [hbm4b:s5+s20], $0x40, s7, s20, $0xb8;
	[tilespmem:$0x1C000] =	vst v63  }
0x78: {  	s7 =	smov.u32 s4  }
0x79: {  	p0 =	sne.s32 s4, $0x9000;
	s4 =	sadd.s32 $0x800, s4;
	_ =	swait.ge [sflag:s29], $0x2000  }
0x7a: {  	s7 =	sshra.s32 s7, $0x2;
	[sflag:s29] =	ssyncset.done $0x0  }
0x7b: {  	s8 =	sadd.s32 $0x2800, s7;
	[sflag:s29] =	ssyncadd.s32 $0xFFFFE000  }
0x7c: {  	[spmem:s2] =	stream.indirect.scatter.add.bf16 [tilespmem:s18], [sflag:$0x5], $0x40, s8, s20, $0xb8;
	[tilespmem:$0x1C000] =	vst v63  }
0x7d: {  	_ =	swait.ge [sflag:s30], $0x2000  }
0x7e: {  	[sflag:s30] =	ssyncset.done $0x0  }
0x7f: {  	s8 =	sadd.s32 $0x2880, s7;
	[sflag:s30] =	ssyncadd.s32 $0xFFFFE000  }
0x80: {  	[spmem:s2] =	stream.indirect.scatter.add.bf16 [tilespmem:s21], [sflag:$0x6], $0x40, s8, s20, $0xb8;
	[tilespmem:$0x1C000] =	vst v63  }
0x81: {  	_ =	swait.ge [sflag:s31], $0x2000  }
0x82: {  	[sflag:s31] =	ssyncset.done $0x0  }
0x83: {  	s8 =	sadd.s32 $0x2900, s7;
	[sflag:s31] =	ssyncadd.s32 $0xFFFFE000  }
0x84: {  	[spmem:s2] =	stream.indirect.scatter.add.bf16 [tilespmem:s23], [sflag:$0x7], $0x40, s8, s20, $0xb8;
	[tilespmem:$0x1C000] =	vst v63  }
0x85: {  	_ =	swait.ge [sflag:s1], $0x2000  }
0x86: {  	[sflag:s1] =	ssyncset.done $0x0  }
0x87: {  	s8 =	sadd.s32 $0x2980, s7;
	[sflag:s1] =	ssyncadd.s32 $0xFFFFE000  }
0x88: {  	[spmem:s2] =	stream.indirect.scatter.add.bf16 [tilespmem:s26], [sflag:$0x8], $0x40, s8, s20, $0xb8;
	[tilespmem:$0x1C000] =	vst v63  }
0x89: {  	_ =	swait.ge [sflag:s0], $0x2000  }
0x8a: {  	[sflag:s0] =	ssyncset.done $0x0  }
0x8b: {  	s8 =	sadd.s32 $0x200, s7;
	[sflag:s0] =	ssyncadd.s32 $0xFFFFE000  }
0x8c: {  	[tilespmem:s18], [sflag:$0x1] =	stream.indirect.gather [hbm4b:s5+s20], $0x40, s8, s20, $0xb8;
	[tilespmem:$0x1C000] =	vst v63  }
0x8d: {  	_ =	swait.ge [sflag:s19], $0x2000  }
0x8e: {  	[sflag:s19] =	ssyncset.done $0x0  }
0x8f: {  	s8 =	sadd.s32 $0x280, s7;
	[sflag:s19] =	ssyncadd.s32 $0xFFFFE000  }
0x90: {  	[tilespmem:s21], [sflag:$0x2] =	stream.indirect.gather [hbm4b:s5+s20], $0x40, s8, s20, $0xb8;
	[tilespmem:$0x1C000] =	vst v63  }
0x91: {  	_ =	swait.ge [sflag:s22], $0x2000  }
0x92: {  	[sflag:s22] =	ssyncset.done $0x0  }
.Ltmp3:
0x93: {  	s8 =	sadd.s32 $0x300, s7;
	[sflag:s22] =	ssyncadd.s32 $0xFFFFE000;
	(pc) =	sbr.rel @p0 .LBB2_8-.Ltmp3, $4  }
0x94: {  	[tilespmem:s23], [sflag:$0x3] =	stream.indirect.gather [hbm4b:s5+s20], $0x40, s8, s20, $0xb8;
	[tilespmem:$0x1C000] =	vst v63  }
0x95: {  	_ =	swait.ge [sflag:s24], $0x2000  }
0x96: {  	[sflag:s24] =	ssyncset.done $0x0  }
0x97: {  	s7 =	sadd.s32 $0x380, s7;
	[sflag:s24] =	ssyncadd.s32 $0xFFFFE000  }
0x98: {  	[tilespmem:s26], [sflag:$0x4] =	stream.indirect.gather [hbm4b:s5+s20], $0x40, s7, s20, $0xb8;
	[tilespmem:$0x1C000] =	vst v63  }
0x99: {  	_ =	swait.ge [sflag:s29], $0x2000  }
0x9a: {  	[sflag:s29] =	ssyncset.done $0x0  }
0x9b: {  	s4 =	simm.s32 $0x4E00;
	[sflag:s29] =	ssyncadd.s32 $0xFFFFE000  }
0x9c: {  	[spmem:s2] =	stream.indirect.scatter.add.bf16 [tilespmem:s18], [sflag:$0x5], $0x40, s4, s20, $0xb8;
	[tilespmem:$0x1C000] =	vst v63  }
0x9d: {  	_ =	swait.ge [sflag:s30], $0x2000  }
0x9e: {  	[sflag:s30] =	ssyncset.done $0x0  }
0x9f: {  	s7 =	simm.s32 $0x4E80;
	[sflag:s30] =	ssyncadd.s32 $0xFFFFE000  }
0xa0: {  	[spmem:s2] =	stream.indirect.scatter.add.bf16 [tilespmem:s21], [sflag:$0x6], $0x40, s7, s20, $0xb8;
	[tilespmem:$0x1C000] =	vst v63  }
0xa1: {  	_ =	swait.ge [sflag:s31], $0x2000  }
0xa2: {  	[sflag:s31] =	ssyncset.done $0x0  }
0xa3: {  	s8 =	simm.s32 $0x4F00;
	[sflag:s31] =	ssyncadd.s32 $0xFFFFE000  }
0xa4: {  	[spmem:s2] =	stream.indirect.scatter.add.bf16 [tilespmem:s23], [sflag:$0x7], $0x40, s8, s20, $0xb8;
	[tilespmem:$0x1C000] =	vst v63  }
0xa5: {  	_ =	swait.ge [sflag:s1], $0x2000  }
0xa6: {  	[sflag:s1] =	ssyncset.done $0x0  }
0xa7: {  	s7 =	simm.s32 $0x4F80;
	[sflag:s1] =	ssyncadd.s32 $0xFFFFE000  }
0xa8: {  	[spmem:s2] =	stream.indirect.scatter.add.bf16 [tilespmem:s26], [sflag:$0x8], $0x40, s7, s20, $0xb8;
	[tilespmem:$0x1C000] =	vst v63  }
0xa9: {  	_ =	swait.ge [sflag:s0], $0x2000  }
0xaa: {  	[sflag:s0] =	ssyncset.done $0x0  }
0xab: {  	[sflag:s0] =	ssyncadd.s32 $0xFFFFE000  }
0xac: {  	_ =	swait.ge [sflag:s19], $0x2000  }
0xad: {  	[sflag:s19] =	ssyncset.done $0x0  }
0xae: {  	[sflag:s19] =	ssyncadd.s32 $0xFFFFE000  }
0xaf: {  	_ =	swait.ge [sflag:s22], $0x2000  }
0xb0: {  	[sflag:s22] =	ssyncset.done $0x0  }
0xb1: {  	[sflag:s22] =	ssyncadd.s32 $0xFFFFE000  }
0xb2: {  	_ =	swait.ge [sflag:s24], $0x2000  }
0xb3: {  	[sflag:s24] =	ssyncset.done $0x0  }
0xb4: {  	s7 =	simm.s32 $0x0;
	[sflag:s24] =	ssyncadd.s32 $0xFFFFE000  }
0xb5: {  	[hbm4b:s9+s7] =	stream.linear.scatter [tilespmem:s28], [sflag:$0x9], $0x2800, $0x38;
	[tilespmem:$0x1C000] =	vst v63  }
0xb6: {  	_ =	swait.ge [sflag:s17], $0x2800  }
0xb7: {  	s3 =	sadd.s32 $0x1, s3;
	s8 =	stileid.u32;
	[sflag:s17] =	ssyncset.done $0x0  }
0xb8: {  	p0 =	sne.s32 s3, s11;
	s4 =	sshll.u32 s8, $0x6;
	[sflag:s17] =	ssyncadd.s32 $0xFFFFD800  }
.Ltmp4:
0xb9: {  	s4 =	sor.u32 $0x1C09, s4;
	[bflag:$0x0] =	sbarrier.arrive $0xFFFF;
	(pc) =	sbr.rel @p0 .LBB2_1-.Ltmp4, $4  }
0xba: {  	[hbm:s10], [sflag:s4] =	dma.local [spmem:s25], $0x1400  }
0xbb: {  	_ =	swait.ge [sflag:s17], $0x1400  }
0xbc: {  	[sflag:s17] =	ssyncset.done $0x0  }
0xbd: {  	[sflag:s17] =	ssyncadd.s32 $0xFFFFEC00  }
0xbe: {  	_ =	sfence.sel $0x180000  }
0xbf: {  	[bflag:$0x0] =	sbarrier.arrive $0xFFFF  }
0xc0: {  	_ =	strace $0x9000004A  }
0xc1: {  	s0 =	stileid.u32;
	[bflag:$0x2] =	sbarrier.arrive $0xFFFF  }
0xc2: {  	p0 =	sne.s32 s0, $0x0;
	s0 =	rddreg [dreg:$0x2]  }
0xc3: {  	s0 =	sadd.s32 @!p0 $0x100000, s0  }
0xc4: {  	[sflag:s0] =	ssyncadd.tile.s32 @!p0 $0x1;
	_ =	shalt  }
.Lfunc_end2:
_tile_overlayer_lowered:
.L_overlay_start_2:
0xc5: {  	(tag) =	ssettag $0x2  }
0xc6: {  	s0 =	rddreg [dreg:$0x0];
	s2 =	stileid.u32  }
0xc7: {  	s1 =	rddreg [dreg:$0x1];
	p0 =	sne.s32 s2, $0x0  }
0xc8: {  	s3 =	rddreg [dreg:$0x2];
	[bflag:$0x3] =	sbarrier.arrive $0xFFFF;
	s2 =	simm.s32 @!p0 $0x1C09  }
0xc9: {  	[timem:s3], [sflag:s2] =	dma.local @!p0 [hbm:s0], s1  }
0xca: {  	s0 =	simm.s32 @!p0 $0x9  }
0xcb: {  	_ =	swait.ge @!p0 [sflag:s0], s1  }
0xcc: {  	s1 =	ssub.s32 @!p0 $0x0, s1;
	[sflag:s0] =	ssyncset.done @!p0 $0x0  }
0xcd: {  	[sflag:s0] =	ssyncadd.s32 @!p0 s1  }
0xce: {  	[bflag:$0x3] =	sbarrier.arrive $0xFFFF  }
0xcf: {  	_ =	shalt  }

</sc_bundles>
